<compile_context>
chip_gen: v7x
topology: tpu7x:2x2x1
jax: 0.10.2.dev20260603
libtpu: 0.0.44.dev20260713+nightly
codegen_flags: <defaults>
</compile_context>

<pallas_src>
import functools

import jax
import jax.numpy as jnp
from jax import lax
from jax.experimental import pallas as pl
from jax.experimental.pallas import tpu as pltpu
from jax.experimental.pallas import tpu_sc as plsc

_NUM_NODES = 1000000
_EMBED_DIM = 64
_NUM_CORES = 2
_NUM_SUBCORES = 16
_NUM_WORKERS = _NUM_CORES * _NUM_SUBCORES

_BC = 32768
_SC_COLS = 393216
_NQ = 4
_COLS_PER_W = _SC_COLS // _NQ
_CHUNK = 3072
_NCHUNKS = _COLS_PER_W // _CHUNK
_NBUF = 4
_NBANDS = 8

_TC_GRID = (_NUM_NODES - _SC_COLS + _BC - 1) // _BC

_MESH = plsc.VectorSubcoreMesh(core_axis_name="c", subcore_axis_name="s")


@functools.partial(
    pl.kernel,
    out_type=jax.ShapeDtypeStruct((_EMBED_DIM, _NUM_NODES), jnp.float32),
    mesh=_MESH,
    scratch_types=[
        [pltpu.VMEM((8, _CHUNK), jnp.float32) for _ in range(_NBUF)],
        [pltpu.SemaphoreType.DMA for _ in range(_NBUF)],
        [pltpu.SemaphoreType.DMA for _ in range(_NBUF)],
    ],
)
def _sc_copy(w_hbm, o_hbm, bufs, in_sems, out_sems):
    wid = lax.axis_index("s") * _NUM_CORES + lax.axis_index("c")
    band = wid // _NQ
    row = pl.multiple_of(band * 8, 8)
    cbase = pl.multiple_of((wid % _NQ) * _COLS_PER_W, 128)

    def _in_copy(k, b):
        off = pl.multiple_of(cbase + k * _CHUNK, 128)
        return pltpu.make_async_copy(
            w_hbm.at[pl.ds(row, 8), pl.ds(off, _CHUNK)], bufs[b], in_sems[b])

    def _out_copy(k, b):
        off = pl.multiple_of(cbase + k * _CHUNK, 128)
        return pltpu.make_async_copy(
            bufs[b], o_hbm.at[pl.ds(row, 8), pl.ds(off, _CHUNK)], out_sems[b])

    for j in range(_NBUF - 1):
        _in_copy(j, j).start()
    for k in range(_NCHUNKS):
        b = k % _NBUF
        _in_copy(k, b).wait()
        _out_copy(k, b).start()
        if k + _NBUF - 1 < _NCHUNKS:
            if k >= 1:
                _out_copy(k - 1, (k + _NBUF - 1) % _NBUF).wait()
            _in_copy(k + _NBUF - 1, (k + _NBUF - 1) % _NBUF).start()
    for k in range(_NCHUNKS - _NBUF, _NCHUNKS):
        _out_copy(k, k % _NBUF).wait()


def _tc_body(w_ref, acc_ref, o_ref):
    o_ref[...] = w_ref[...]


def kernel(weight):
    wt = weight.T
    out_sc = _sc_copy(wt)
    out_t = pl.pallas_call(
        _tc_body,
        out_shape=jax.ShapeDtypeStruct((_EMBED_DIM, _NUM_NODES), jnp.float32),
        grid=(_TC_GRID,),
        in_specs=[
            pl.BlockSpec((_EMBED_DIM, _BC),
                         lambda i: (0, i + _SC_COLS // _BC)),
            pl.BlockSpec(memory_space=pl.ANY),
        ],
        out_specs=pl.BlockSpec((_EMBED_DIM, _BC),
                               lambda i: (0, i + _SC_COLS // _BC)),
        input_output_aliases={1: 0},
    )(wt, out_sc)
    return out_t.T

# --- scband reference (transcript-rebuilt; emitter-appended) ---
"""Pipeline reference for scband-node-embeddings-2027224564457 (READ-ONLY COPY).

The authoritative reference and input builder live on the scoring server;
editing this copy changes nothing except your own understanding.
"""

import jax, jax.numpy as jnp
import numpy as np

NUM_NODES = 1000000
EMBED_DIM = 64

def setup_inputs(seed: int = 0) -> dict:
    key = jax.random.key(seed)
    # Learned parameter: the embedding table (nn.Embedding weight),
    # initialized like torch default N(0, 1).
    weight = jax.random.normal(key, (NUM_NODES, EMBED_DIM), dtype=jnp.float32)
    return {"weight": weight}

def reference(weight):
    # NodeEmbeddings.forward() simply returns the embedding weight matrix.
    return weight

if __name__ == "__main__":
    import jax
    _d = setup_inputs()
    print(jax.jit(kernel)(*tuple(_d.values())))

</pallas_src>

<mosaic_0001>
#map = affine_map<(d0, d1) -> (0, 0)>
module attributes {stable_mosaic.version = 14 : i64} {
  func.func @_sc_copy(%arg0: i32, %arg1: i32, %arg2: memref<64x1000000xf32, #tpu.memory_space<hbm>>, %arg3: memref<64x1000000xf32, #tpu.memory_space<hbm>>, %arg4: memref<8x3072xf32, #tpu.memory_space<vmem>>, %arg5: memref<8x3072xf32, #tpu.memory_space<vmem>>, %arg6: memref<8x3072xf32, #tpu.memory_space<vmem>>, %arg7: memref<8x3072xf32, #tpu.memory_space<vmem>>, %arg8: memref<!tpu.dma_semaphore, #tpu.memory_space<semaphore_mem>>, %arg9: memref<!tpu.dma_semaphore, #tpu.memory_space<semaphore_mem>>, %arg10: memref<!tpu.dma_semaphore, #tpu.memory_space<semaphore_mem>>, %arg11: memref<!tpu.dma_semaphore, #tpu.memory_space<semaphore_mem>>, %arg12: memref<!tpu.dma_semaphore, #tpu.memory_space<semaphore_mem>>, %arg13: memref<!tpu.dma_semaphore, #tpu.memory_space<semaphore_mem>>, %arg14: memref<!tpu.dma_semaphore, #tpu.memory_space<semaphore_mem>>, %arg15: memref<!tpu.dma_semaphore, #tpu.memory_space<semaphore_mem>>) attributes {dimension_semantics = [#tpu.dimension_semantics<core_parallel>, #tpu.dimension_semantics<subcore_parallel>], iteration_bounds = array<i64: 2, 16>, scalar_prefetch = 0 : i64, scratch_operands = 12 : i64, tpu.core_type = #tpu.core_type<sc_vector_subcore>, window_params = [{transform_indices = #map}, {transform_indices = #map}]} {
    %mul3A = arith.constant 2 : i32
    %mul3A_0 = arith.muli %arg1, %mul3A : i32
    %add3A = arith.addi %mul3A_0, %arg0 : i32
    %jit3A = arith.constant 4 : i32
    %div3A = arith.divsi %add3A, %jit3A : i32
    %sign3A = arith.constant 0 : i32
    %sign3A_1 = arith.cmpi sgt, %add3A, %sign3A : i32
    %sign3A_2 = arith.extui %sign3A_1 : i1 to i32
    %sign3A_3 = arith.constant 0 : i32
    %sign3A_4 = arith.cmpi slt, %add3A, %sign3A_3 : i32
    %sign3A_5 = arith.extui %sign3A_4 : i1 to i32
    %sign3A_6 = arith.subi %sign3A_2, %sign3A_5 : i32
    %sign3A_7 = arith.constant 0 : i32
    %sign3A_8 = arith.cmpi sgt, %jit3A, %sign3A_7 : i32
    %sign3A_9 = arith.extui %sign3A_8 : i1 to i32
    %sign3A_10 = arith.constant 0 : i32
    %sign3A_11 = arith.cmpi slt, %jit3A, %sign3A_10 : i32
    %sign3A_12 = arith.extui %sign3A_11 : i1 to i32
    %sign3A_13 = arith.subi %sign3A_9, %sign3A_12 : i32
    %ne3A = arith.cmpi ne, %sign3A_6, %sign3A_13 : i32
    %rem3A = arith.remsi %add3A, %jit3A : i32
    %ne3A_14 = arith.constant 0 : i32
    %ne3A_15 = arith.cmpi ne, %rem3A, %ne3A_14 : i32
    %and3A = arith.andi %ne3A, %ne3A_15 : i1
    %sub3A = arith.constant 1 : i32
    %sub3A_16 = arith.subi %div3A, %sub3A : i32
    %select_n3A = arith.select %and3A, %sub3A_16, %div3A : i32
    %mul3A_17 = arith.constant 8 : i32
    %mul3A_18 = arith.muli %select_n3A, %mul3A_17 : i32
    %multiple_of3A = tpu.assume_multiple %mul3A_18, 8 : i32
    %jit3A_19 = arith.constant 4 : i32
    %eq3A = arith.constant 0 : i32
    %eq3A_20 = arith.cmpi eq, %jit3A_19, %eq3A : i32
    %jit3A_21 = arith.constant 1 : i32
    %select_n3A_22 = arith.select %eq3A_20, %jit3A_21, %jit3A_19 : i32
    %rem3A_23 = arith.remsi %add3A, %select_n3A_22 : i32
    %ne3A_24 = arith.constant 0 : i32
    %ne3A_25 = arith.cmpi ne, %rem3A_23, %ne3A_24 : i32
    %lt3A = arith.constant 0 : i32
    %lt3A_26 = arith.cmpi slt, %rem3A_23, %lt3A : i32
    %lt3A_27 = arith.constant 0 : i32
    %lt3A_28 = arith.cmpi slt, %select_n3A_22, %lt3A_27 : i32
    %ne3A_29 = arith.xori %lt3A_26, %lt3A_28 : i1
    %and3A_30 = arith.andi %ne3A_29, %ne3A_25 : i1
    %add3A_31 = arith.addi %rem3A_23, %select_n3A_22 : i32
    %select_n3A_32 = arith.select %and3A_30, %add3A_31, %rem3A_23 : i32
    %mul3A_33 = arith.constant 98304 : i32
    %mul3A_34 = arith.muli %select_n3A_32, %mul3A_33 : i32
    %multiple_of3A_35 = tpu.assume_multiple %mul3A_34, 128 : i32
    %add3A_36 = arith.constant 0 : i32
    %add3A_37 = arith.addi %multiple_of3A_35, %add3A_36 : i32
    %multiple_of3A_38 = tpu.assume_multiple %add3A_37, 128 : i32
    %dma_start3A = tpu.memref_slice %arg2[%multiple_of3A, %multiple_of3A_38] : memref<64x1000000xf32, #tpu.memory_space<hbm>> -> memref<8x3072xf32, #tpu.memory_space<hbm>>
    %dma_start3A_39 = tpu.memref_slice %arg2[%multiple_of3A, %multiple_of3A_38] : memref<64x1000000xf32, #tpu.memory_space<hbm>> -> memref<8x3072xf32, #tpu.memory_space<hbm>>
    tpu.enqueue_dma source(%dma_start3A_39 : memref<8x3072xf32, #tpu.memory_space<hbm>>) target(%arg4 : memref<8x3072xf32, #tpu.memory_space<vmem>>) target_semaphore(%arg8 : memref<!tpu.dma_semaphore, #tpu.memory_space<semaphore_mem>>)
    %add3A_40 = arith.constant 3072 : i32
    %add3A_41 = arith.addi %multiple_of3A_35, %add3A_40 : i32
    %multiple_of3A_42 = tpu.assume_multiple %add3A_41, 128 : i32
    %dma_start3A_43 = tpu.memref_slice %arg2[%multiple_of3A, %multiple_of3A_42] : memref<64x1000000xf32, #tpu.memory_space<hbm>> -> memref<8x3072xf32, #tpu.memory_space<hbm>>
    %dma_start3A_44 = tpu.memref_slice %arg2[%multiple_of3A, %multiple_of3A_42] : memref<64x1000000xf32, #tpu.memory_space<hbm>> -> memref<8x3072xf32, #tpu.memory_space<hbm>>
    tpu.enqueue_dma source(%dma_start3A_44 : memref<8x3072xf32, #tpu.memory_space<hbm>>) target(%arg5 : memref<8x3072xf32, #tpu.memory_space<vmem>>) target_semaphore(%arg9 : memref<!tpu.dma_semaphore, #tpu.memory_space<semaphore_mem>>)
    %add3A_45 = arith.constant 6144 : i32
    %add3A_46 = arith.addi %multiple_of3A_35, %add3A_45 : i32
    %multiple_of3A_47 = tpu.assume_multiple %add3A_46, 128 : i32
    %dma_start3A_48 = tpu.memref_slice %arg2[%multiple_of3A, %multiple_of3A_47] : memref<64x1000000xf32, #tpu.memory_space<hbm>> -> memref<8x3072xf32, #tpu.memory_space<hbm>>
    %dma_start3A_49 = tpu.memref_slice %arg2[%multiple_of3A, %multiple_of3A_47] : memref<64x1000000xf32, #tpu.memory_space<hbm>> -> memref<8x3072xf32, #tpu.memory_space<hbm>>
    tpu.enqueue_dma source(%dma_start3A_49 : memref<8x3072xf32, #tpu.memory_space<hbm>>) target(%arg6 : memref<8x3072xf32, #tpu.memory_space<vmem>>) target_semaphore(%arg10 : memref<!tpu.dma_semaphore, #tpu.memory_space<semaphore_mem>>)
    %add3A_50 = arith.constant 0 : i32
    %add3A_51 = arith.addi %multiple_of3A_35, %add3A_50 : i32
    %multiple_of3A_52 = tpu.assume_multiple %add3A_51, 128 : i32
    %dma_wait3A = tpu.memref_slice %arg2[%multiple_of3A, %multiple_of3A_52] : memref<64x1000000xf32, #tpu.memory_space<hbm>> -> memref<8x3072xf32, #tpu.memory_space<hbm>>
    %dma_wait3A_53 = tpu.memref_slice %arg2[%multiple_of3A, %multiple_of3A_52] : memref<64x1000000xf32, #tpu.memory_space<hbm>> -> memref<8x3072xf32, #tpu.memory_space<hbm>>
    tpu.wait_dma2 semaphore(%arg8 : memref<!tpu.dma_semaphore, #tpu.memory_space<semaphore_mem>>) src(%dma_wait3A_53 : memref<8x3072xf32, #tpu.memory_space<hbm>>) dst(%arg4 : memref<8x3072xf32, #tpu.memory_space<vmem>>)
    %add3A_54 = arith.constant 0 : i32
    %add3A_55 = arith.addi %multiple_of3A_35, %add3A_54 : i32
    %multiple_of3A_56 = tpu.assume_multiple %add3A_55, 128 : i32
    %dma_start3A_57 = tpu.memref_slice %arg3[%multiple_of3A, %multiple_of3A_56] : memref<64x1000000xf32, #tpu.memory_space<hbm>> -> memref<8x3072xf32, #tpu.memory_space<hbm>>
    %dma_start3A_58 = tpu.memref_slice %arg3[%multiple_of3A, %multiple_of3A_56] : memref<64x1000000xf32, #tpu.memory_space<hbm>> -> memref<8x3072xf32, #tpu.memory_space<hbm>>
    tpu.enqueue_dma source(%arg4 : memref<8x3072xf32, #tpu.memory_space<vmem>>) target(%dma_start3A_58 : memref<8x3072xf32, #tpu.memory_space<hbm>>) target_semaphore(%arg12 : memref<!tpu.dma_semaphore, #tpu.memory_space<semaphore_mem>>)
    %add3A_59 = arith.constant 9216 : i32
    %add3A_60 = arith.addi %multiple_of3A_35, %add3A_59 : i32
    %multiple_of3A_61 = tpu.assume_multiple %add3A_60, 128 : i32
    %dma_start3A_62 = tpu.memref_slice %arg2[%multiple_of3A, %multiple_of3A_61] : memref<64x1000000xf32, #tpu.memory_space<hbm>> -> memref<8x3072xf32, #tpu.memory_space<hbm>>
    %dma_start3A_63 = tpu.memref_slice %arg2[%multiple_of3A, %multiple_of3A_61] : memref<64x1000000xf32, #tpu.memory_space<hbm>> -> memref<8x3072xf32, #tpu.memory_space<hbm>>
    tpu.enqueue_dma source(%dma_start3A_63 : memref<8x3072xf32, #tpu.memory_space<hbm>>) target(%arg7 : memref<8x3072xf32, #tpu.memory_space<vmem>>) target_semaphore(%arg11 : memref<!tpu.dma_semaphore, #tpu.memory_space<semaphore_mem>>)
    %add3A_64 = arith.constant 3072 : i32
    %add3A_65 = arith.addi %multiple_of3A_35, %add3A_64 : i32
    %multiple_of3A_66 = tpu.assume_multiple %add3A_65, 128 : i32
    %dma_wait3A_67 = tpu.memref_slice %arg2[%multiple_of3A, %multiple_of3A_66] : memref<64x1000000xf32, #tpu.memory_space<hbm>> -> memref<8x3072xf32, #tpu.memory_space<hbm>>
    %dma_wait3A_68 = tpu.memref_slice %arg2[%multiple_of3A, %multiple_of3A_66] : memref<64x1000000xf32, #tpu.memory_space<hbm>> -> memref<8x3072xf32, #tpu.memory_space<hbm>>
    tpu.wait_dma2 semaphore(%arg9 : memref<!tpu.dma_semaphore, #tpu.memory_space<semaphore_mem>>) src(%dma_wait3A_68 : memref<8x3072xf32, #tpu.memory_space<hbm>>) dst(%arg5 : memref<8x3072xf32, #tpu.memory_space<vmem>>)
    %add3A_69 = arith.constant 3072 : i32
    %add3A_70 = arith.addi %multiple_of3A_35, %add3A_69 : i32
    %multiple_of3A_71 = tpu.assume_multiple %add3A_70, 128 : i32
    %dma_start3A_72 = tpu.memref_slice %arg3[%multiple_of3A, %multiple_of3A_71] : memref<64x1000000xf32, #tpu.memory_space<hbm>> -> memref<8x3072xf32, #tpu.memory_space<hbm>>
    %dma_start3A_73 = tpu.memref_slice %arg3[%multiple_of3A, %multiple_of3A_71] : memref<64x1000000xf32, #tpu.memory_space<hbm>> -> memref<8x3072xf32, #tpu.memory_space<hbm>>
    tpu.enqueue_dma source(%arg5 : memref<8x3072xf32, #tpu.memory_space<vmem>>) target(%dma_start3A_73 : memref<8x3072xf32, #tpu.memory_space<hbm>>) target_semaphore(%arg13 : memref<!tpu.dma_semaphore, #tpu.memory_space<semaphore_mem>>)
    %add3A_74 = arith.constant 0 : i32
    %add3A_75 = arith.addi %multiple_of3A_35, %add3A_74 : i32
    %multiple_of3A_76 = tpu.assume_multiple %add3A_75, 128 : i32
    %dma_wait3A_77 = tpu.memref_slice %arg3[%multiple_of3A, %multiple_of3A_76] : memref<64x1000000xf32, #tpu.memory_space<hbm>> -> memref<8x3072xf32, #tpu.memory_space<hbm>>
    %dma_wait3A_78 = tpu.memref_slice %arg3[%multiple_of3A, %multiple_of3A_76] : memref<64x1000000xf32, #tpu.memory_space<hbm>> -> memref<8x3072xf32, #tpu.memory_space<hbm>>
    tpu.wait_dma2 semaphore(%arg12 : memref<!tpu.dma_semaphore, #tpu.memory_space<semaphore_mem>>) src(%arg4 : memref<8x3072xf32, #tpu.memory_space<vmem>>) dst(%dma_wait3A_78 : memref<8x3072xf32, #tpu.memory_space<hbm>>)
    %add3A_79 = arith.constant 12288 : i32
    %add3A_80 = arith.addi %multiple_of3A_35, %add3A_79 : i32
    %multiple_of3A_81 = tpu.assume_multiple %add3A_80, 128 : i32
    %dma_start3A_82 = tpu.memref_slice %arg2[%multiple_of3A, %multiple_of3A_81] : memref<64x1000000xf32, #tpu.memory_space<hbm>> -> memref<8x3072xf32, #tpu.memory_space<hbm>>
    %dma_start3A_83 = tpu.memref_slice %arg2[%multiple_of3A, %multiple_of3A_81] : memref<64x1000000xf32, #tpu.memory_space<hbm>> -> memref<8x3072xf32, #tpu.memory_space<hbm>>
    tpu.enqueue_dma source(%dma_start3A_83 : memref<8x3072xf32, #tpu.memory_space<hbm>>) target(%arg4 : memref<8x3072xf32, #tpu.memory_space<vmem>>) target_semaphore(%arg8 : memref<!tpu.dma_semaphore, #tpu.memory_space<semaphore_mem>>)
    %add3A_84 = arith.constant 6144 : i32
    %add3A_85 = arith.addi %multiple_of3A_35, %add3A_84 : i32
    %multiple_of3A_86 = tpu.assume_multiple %add3A_85, 128 : i32
    %dma_wait3A_87 = tpu.memref_slice %arg2[%multiple_of3A, %multiple_of3A_86] : memref<64x1000000xf32, #tpu.memory_space<hbm>> -> memref<8x3072xf32, #tpu.memory_space<hbm>>
    %dma_wait3A_88 = tpu.memref_slice %arg2[%multiple_of3A, %multiple_of3A_86] : memref<64x1000000xf32, #tpu.memory_space<hbm>> -> memref<8x3072xf32, #tpu.memory_space<hbm>>
    tpu.wait_dma2 semaphore(%arg10 : memref<!tpu.dma_semaphore, #tpu.memory_space<semaphore_mem>>) src(%dma_wait3A_88 : memref<8x3072xf32, #tpu.memory_space<hbm>>) dst(%arg6 : memref<8x3072xf32, #tpu.memory_space<vmem>>)
    %add3A_89 = arith.constant 6144 : i32
    %add3A_90 = arith.addi %multiple_of3A_35, %add3A_89 : i32
    %multiple_of3A_91 = tpu.assume_multiple %add3A_90, 128 : i32
    %dma_start3A_92 = tpu.memref_slice %arg3[%multiple_of3A, %multiple_of3A_91] : memref<64x1000000xf32, #tpu.memory_space<hbm>> -> memref<8x3072xf32, #tpu.memory_space<hbm>>
    %dma_start3A_93 = tpu.memref_slice %arg3[%multiple_of3A, %multiple_of3A_91] : memref<64x1000000xf32, #tpu.memory_space<hbm>> -> memref<8x3072xf32, #tpu.memory_space<hbm>>
    tpu.enqueue_dma source(%arg6 : memref<8x3072xf32, #tpu.memory_space<vmem>>) target(%dma_start3A_93 : memref<8x3072xf32, #tpu.memory_space<hbm>>) target_semaphore(%arg14 : memref<!tpu.dma_semaphore, #tpu.memory_space<semaphore_mem>>)
    %add3A_94 = arith.constant 3072 : i32
    %add3A_95 = arith.addi %multiple_of3A_35, %add3A_94 : i32
    %multiple_of3A_96 = tpu.assume_multiple %add3A_95, 128 : i32
    %dma_wait3A_97 = tpu.memref_slice %arg3[%multiple_of3A, %multiple_of3A_96] : memref<64x1000000xf32, #tpu.memory_space<hbm>> -> memref<8x3072xf32, #tpu.memory_space<hbm>>
    %dma_wait3A_98 = tpu.memref_slice %arg3[%multiple_of3A, %multiple_of3A_96] : memref<64x1000000xf32, #tpu.memory_space<hbm>> -> memref<8x3072xf32, #tpu.memory_space<hbm>>
    tpu.wait_dma2 semaphore(%arg13 : memref<!tpu.dma_semaphore, #tpu.memory_space<semaphore_mem>>) src(%arg5 : memref<8x3072xf32, #tpu.memory_space<vmem>>) dst(%dma_wait3A_98 : memref<8x3072xf32, #tpu.memory_space<hbm>>)
    %add3A_99 = arith.constant 15360 : i32
    %add3A_100 = arith.addi %multiple_of3A_35, %add3A_99 : i32
    %multiple_of3A_101 = tpu.assume_multiple %add3A_100, 128 : i32
    %dma_start3A_102 = tpu.memref_slice %arg2[%multiple_of3A, %multiple_of3A_101] : memref<64x1000000xf32, #tpu.memory_space<hbm>> -> memref<8x3072xf32, #tpu.memory_space<hbm>>
    %dma_start3A_103 = tpu.memref_slice %arg2[%multiple_of3A, %multiple_of3A_101] : memref<64x1000000xf32, #tpu.memory_space<hbm>> -> memref<8x3072xf32, #tpu.memory_space<hbm>>
    tpu.enqueue_dma source(%dma_start3A_103 : memref<8x3072xf32, #tpu.memory_space<hbm>>) target(%arg5 : memref<8x3072xf32, #tpu.memory_space<vmem>>) target_semaphore(%arg9 : memref<!tpu.dma_semaphore, #tpu.memory_space<semaphore_mem>>)
    %add3A_104 = arith.constant 9216 : i32
    %add3A_105 = arith.addi %multiple_of3A_35, %add3A_104 : i32
    %multiple_of3A_106 = tpu.assume_multiple %add3A_105, 128 : i32
    %dma_wait3A_107 = tpu.memref_slice %arg2[%multiple_of3A, %multiple_of3A_106] : memref<64x1000000xf32, #tpu.memory_space<hbm>> -> memref<8x3072xf32, #tpu.memory_space<hbm>>
    %dma_wait3A_108 = tpu.memref_slice %arg2[%multiple_of3A, %multiple_of3A_106] : memref<64x1000000xf32, #tpu.memory_space<hbm>> -> memref<8x3072xf32, #tpu.memory_space<hbm>>
    tpu.wait_dma2 semaphore(%arg11 : memref<!tpu.dma_semaphore, #tpu.memory_space<semaphore_mem>>) src(%dma_wait3A_108 : memref<8x3072xf32, #tpu.memory_space<hbm>>) dst(%arg7 : memref<8x3072xf32, #tpu.memory_space<vmem>>)
    %add3A_109 = arith.constant 9216 : i32
    %add3A_110 = arith.addi %multiple_of3A_35, %add3A_109 : i32
    %multiple_of3A_111 = tpu.assume_multiple %add3A_110, 128 : i32
    %dma_start3A_112 = tpu.memref_slice %arg3[%multiple_of3A, %multiple_of3A_111] : memref<64x1000000xf32, #tpu.memory_space<hbm>> -> memref<8x3072xf32, #tpu.memory_space<hbm>>
    %dma_start3A_113 = tpu.memref_slice %arg3[%multiple_of3A, %multiple_of3A_111] : memref<64x1000000xf32, #tpu.memory_space<hbm>> -> memref<8x3072xf32, #tpu.memory_space<hbm>>
    tpu.enqueue_dma source(%arg7 : memref<8x3072xf32, #tpu.memory_space<vmem>>) target(%dma_start3A_113 : memref<8x3072xf32, #tpu.memory_space<hbm>>) target_semaphore(%arg15 : memref<!tpu.dma_semaphore, #tpu.memory_space<semaphore_mem>>)
    %add3A_114 = arith.constant 6144 : i32
    %add3A_115 = arith.addi %multiple_of3A_35, %add3A_114 : i32
    %multiple_of3A_116 = tpu.assume_multiple %add3A_115, 128 : i32
    %dma_wait3A_117 = tpu.memref_slice %arg3[%multiple_of3A, %multiple_of3A_116] : memref<64x1000000xf32, #tpu.memory_space<hbm>> -> memref<8x3072xf32, #tpu.memory_space<hbm>>
    %dma_wait3A_118 = tpu.memref_slice %arg3[%multiple_of3A, %multiple_of3A_116] : memref<64x1000000xf32, #tpu.memory_space<hbm>> -> memref<8x3072xf32, #tpu.memory_space<hbm>>
    tpu.wait_dma2 semaphore(%arg14 : memref<!tpu.dma_semaphore, #tpu.memory_space<semaphore_mem>>) src(%arg6 : memref<8x3072xf32, #tpu.memory_space<vmem>>) dst(%dma_wait3A_118 : memref<8x3072xf32, #tpu.memory_space<hbm>>)
    %add3A_119 = arith.constant 18432 : i32
    %add3A_120 = arith.addi %multiple_of3A_35, %add3A_119 : i32
    %multiple_of3A_121 = tpu.assume_multiple %add3A_120, 128 : i32
    %dma_start3A_122 = tpu.memref_slice %arg2[%multiple_of3A, %multiple_of3A_121] : memref<64x1000000xf32, #tpu.memory_space<hbm>> -> memref<8x3072xf32, #tpu.memory_space<hbm>>
    %dma_start3A_123 = tpu.memref_slice %arg2[%multiple_of3A, %multiple_of3A_121] : memref<64x1000000xf32, #tpu.memory_space<hbm>> -> memref<8x3072xf32, #tpu.memory_space<hbm>>
    tpu.enqueue_dma source(%dma_start3A_123 : memref<8x3072xf32, #tpu.memory_space<hbm>>) target(%arg6 : memref<8x3072xf32, #tpu.memory_space<vmem>>) target_semaphore(%arg10 : memref<!tpu.dma_semaphore, #tpu.memory_space<semaphore_mem>>)
    %add3A_124 = arith.constant 12288 : i32
    %add3A_125 = arith.addi %multiple_of3A_35, %add3A_124 : i32
    %multiple_of3A_126 = tpu.assume_multiple %add3A_125, 128 : i32
    %dma_wait3A_127 = tpu.memref_slice %arg2[%multiple_of3A, %multiple_of3A_126] : memref<64x1000000xf32, #tpu.memory_space<hbm>> -> memref<8x3072xf32, #tpu.memory_space<hbm>>
    %dma_wait3A_128 = tpu.memref_slice %arg2[%multiple_of3A, %multiple_of3A_126] : memref<64x1000000xf32, #tpu.memory_space<hbm>> -> memref<8x3072xf32, #tpu.memory_space<hbm>>
    tpu.wait_dma2 semaphore(%arg8 : memref<!tpu.dma_semaphore, #tpu.memory_space<semaphore_mem>>) src(%dma_wait3A_128 : memref<8x3072xf32, #tpu.memory_space<hbm>>) dst(%arg4 : memref<8x3072xf32, #tpu.memory_space<vmem>>)
    %add3A_129 = arith.constant 12288 : i32
    %add3A_130 = arith.addi %multiple_of3A_35, %add3A_129 : i32
    %multiple_of3A_131 = tpu.assume_multiple %add3A_130, 128 : i32
    %dma_start3A_132 = tpu.memref_slice %arg3[%multiple_of3A, %multiple_of3A_131] : memref<64x1000000xf32, #tpu.memory_space<hbm>> -> memref<8x3072xf32, #tpu.memory_space<hbm>>
    %dma_start3A_133 = tpu.memref_slice %arg3[%multiple_of3A, %multiple_of3A_131] : memref<64x1000000xf32, #tpu.memory_space<hbm>> -> memref<8x3072xf32, #tpu.memory_space<hbm>>
    tpu.enqueue_dma source(%arg4 : memref<8x3072xf32, #tpu.memory_space<vmem>>) target(%dma_start3A_133 : memref<8x3072xf32, #tpu.memory_space<hbm>>) target_semaphore(%arg12 : memref<!tpu.dma_semaphore, #tpu.memory_space<semaphore_mem>>)
    %add3A_134 = arith.constant 9216 : i32
    %add3A_135 = arith.addi %multiple_of3A_35, %add3A_134 : i32
    %multiple_of3A_136 = tpu.assume_multiple %add3A_135, 128 : i32
    %dma_wait3A_137 = tpu.memref_slice %arg3[%multiple_of3A, %multiple_of3A_136] : memref<64x1000000xf32, #tpu.memory_space<hbm>> -> memref<8x3072xf32, #tpu.memory_space<hbm>>
    %dma_wait3A_138 = tpu.memref_slice %arg3[%multiple_of3A, %multiple_of3A_136] : memref<64x1000000xf32, #tpu.memory_space<hbm>> -> memref<8x3072xf32, #tpu.memory_space<hbm>>
    tpu.wait_dma2 semaphore(%arg15 : memref<!tpu.dma_semaphore, #tpu.memory_space<semaphore_mem>>) src(%arg7 : memref<8x3072xf32, #tpu.memory_space<vmem>>) dst(%dma_wait3A_138 : memref<8x3072xf32, #tpu.memory_space<hbm>>)
    %add3A_139 = arith.constant 21504 : i32
    %add3A_140 = arith.addi %multiple_of3A_35, %add3A_139 : i32
    %multiple_of3A_141 = tpu.assume_multiple %add3A_140, 128 : i32
    %dma_start3A_142 = tpu.memref_slice %arg2[%multiple_of3A, %multiple_of3A_141] : memref<64x1000000xf32, #tpu.memory_space<hbm>> -> memref<8x3072xf32, #tpu.memory_space<hbm>>
    %dma_start3A_143 = tpu.memref_slice %arg2[%multiple_of3A, %multiple_of3A_141] : memref<64x1000000xf32, #tpu.memory_space<hbm>> -> memref<8x3072xf32, #tpu.memory_space<hbm>>
    tpu.enqueue_dma source(%dma_start3A_143 : memref<8x3072xf32, #tpu.memory_space<hbm>>) target(%arg7 : memref<8x3072xf32, #tpu.memory_space<vmem>>) target_semaphore(%arg11 : memref<!tpu.dma_semaphore, #tpu.memory_space<semaphore_mem>>)
    %add3A_144 = arith.constant 15360 : i32
    %add3A_145 = arith.addi %multiple_of3A_35, %add3A_144 : i32
    %multiple_of3A_146 = tpu.assume_multiple %add3A_145, 128 : i32
    %dma_wait3A_147 = tpu.memref_slice %arg2[%multiple_of3A, %multiple_of3A_146] : memref<64x1000000xf32, #tpu.memory_space<hbm>> -> memref<8x3072xf32, #tpu.memory_space<hbm>>
    %dma_wait3A_148 = tpu.memref_slice %arg2[%multiple_of3A, %multiple_of3A_146] : memref<64x1000000xf32, #tpu.memory_space<hbm>> -> memref<8x3072xf32, #tpu.memory_space<hbm>>
    tpu.wait_dma2 semaphore(%arg9 : memref<!tpu.dma_semaphore, #tpu.memory_space<semaphore_mem>>) src(%dma_wait3A_148 : memref<8x3072xf32, #tpu.memory_space<hbm>>) dst(%arg5 : memref<8x3072xf32, #tpu.memory_space<vmem>>)
    %add3A_149 = arith.constant 15360 : i32
    %add3A_150 = arith.addi %multiple_of3A_35, %add3A_149 : i32
    %multiple_of3A_151 = tpu.assume_multiple %add3A_150, 128 : i32
    %dma_start3A_152 = tpu.memref_slice %arg3[%multiple_of3A, %multiple_of3A_151] : memref<64x1000000xf32, #tpu.memory_space<hbm>> -> memref<8x3072xf32, #tpu.memory_space<hbm>>
    %dma_start3A_153 = tpu.memref_slice %arg3[%multiple_of3A, %multiple_of3A_151] : memref<64x1000000xf32, #tpu.memory_space<hbm>> -> memref<8x3072xf32, #tpu.memory_space<hbm>>
    tpu.enqueue_dma source(%arg5 : memref<8x3072xf32, #tpu.memory_space<vmem>>) target(%dma_start3A_153 : memref<8x3072xf32, #tpu.memory_space<hbm>>) target_semaphore(%arg13 : memref<!tpu.dma_semaphore, #tpu.memory_space<semaphore_mem>>)
    %add3A_154 = arith.constant 12288 : i32
    %add3A_155 = arith.addi %multiple_of3A_35, %add3A_154 : i32
    %multiple_of3A_156 = tpu.assume_multiple %add3A_155, 128 : i32
    %dma_wait3A_157 = tpu.memref_slice %arg3[%multiple_of3A, %multiple_of3A_156] : memref<64x1000000xf32, #tpu.memory_space<hbm>> -> memref<8x3072xf32, #tpu.memory_space<hbm>>
    %dma_wait3A_158 = tpu.memref_slice %arg3[%multiple_of3A, %multiple_of3A_156] : memref<64x1000000xf32, #tpu.memory_space<hbm>> -> memref<8x3072xf32, #tpu.memory_space<hbm>>
    tpu.wait_dma2 semaphore(%arg12 : memref<!tpu.dma_semaphore, #tpu.memory_space<semaphore_mem>>) src(%arg4 : memref<8x3072xf32, #tpu.memory_space<vmem>>) dst(%dma_wait3A_158 : memref<8x3072xf32, #tpu.memory_space<hbm>>)
    %add3A_159 = arith.constant 24576 : i32
    %add3A_160 = arith.addi %multiple_of3A_35, %add3A_159 : i32
    %multiple_of3A_161 = tpu.assume_multiple %add3A_160, 128 : i32
    %dma_start3A_162 = tpu.memref_slice %arg2[%multiple_of3A, %multiple_of3A_161] : memref<64x1000000xf32, #tpu.memory_space<hbm>> -> memref<8x3072xf32, #tpu.memory_space<hbm>>
    %dma_start3A_163 = tpu.memref_slice %arg2[%multiple_of3A, %multiple_of3A_161] : memref<64x1000000xf32, #tpu.memory_space<hbm>> -> memref<8x3072xf32, #tpu.memory_space<hbm>>
    tpu.enqueue_dma source(%dma_start3A_163 : memref<8x3072xf32, #tpu.memory_space<hbm>>) target(%arg4 : memref<8x3072xf32, #tpu.memory_space<vmem>>) target_semaphore(%arg8 : memref<!tpu.dma_semaphore, #tpu.memory_space<semaphore_mem>>)
    %add3A_164 = arith.constant 18432 : i32
    %add3A_165 = arith.addi %multiple_of3A_35, %add3A_164 : i32
    %multiple_of3A_166 = tpu.assume_multiple %add3A_165, 128 : i32
    %dma_wait3A_167 = tpu.memref_slice %arg2[%multiple_of3A, %multiple_of3A_166] : memref<64x1000000xf32, #tpu.memory_space<hbm>> -> memref<8x3072xf32, #tpu.memory_space<hbm>>
    %dma_wait3A_168 = tpu.memref_slice %arg2[%multiple_of3A, %multiple_of3A_166] : memref<64x1000000xf32, #tpu.memory_space<hbm>> -> memref<8x3072xf32, #tpu.memory_space<hbm>>
    tpu.wait_dma2 semaphore(%arg10 : memref<!tpu.dma_semaphore, #tpu.memory_space<semaphore_mem>>) src(%dma_wait3A_168 : memref<8x3072xf32, #tpu.memory_space<hbm>>) dst(%arg6 : memref<8x3072xf32, #tpu.memory_space<vmem>>)
    %add3A_169 = arith.constant 18432 : i32
    %add3A_170 = arith.addi %multiple_of3A_35, %add3A_169 : i32
    %multiple_of3A_171 = tpu.assume_multiple %add3A_170, 128 : i32
    %dma_start3A_172 = tpu.memref_slice %arg3[%multiple_of3A, %multiple_of3A_171] : memref<64x1000000xf32, #tpu.memory_space<hbm>> -> memref<8x3072xf32, #tpu.memory_space<hbm>>
    %dma_start3A_173 = tpu.memref_slice %arg3[%multiple_of3A, %multiple_of3A_171] : memref<64x1000000xf32, #tpu.memory_space<hbm>> -> memref<8x3072xf32, #tpu.memory_space<hbm>>
    tpu.enqueue_dma source(%arg6 : memref<8x3072xf32, #tpu.memory_space<vmem>>) target(%dma_start3A_173 : memref<8x3072xf32, #tpu.memory_space<hbm>>) target_semaphore(%arg14 : memref<!tpu.dma_semaphore, #tpu.memory_space<semaphore_mem>>)
    %add3A_174 = arith.constant 15360 : i32
    %add3A_175 = arith.addi %multiple_of3A_35, %add3A_174 : i32
    %multiple_of3A_176 = tpu.assume_multiple %add3A_175, 128 : i32
    %dma_wait3A_177 = tpu.memref_slice %arg3[%multiple_of3A, %multiple_of3A_176] : memref<64x1000000xf32, #tpu.memory_space<hbm>> -> memref<8x3072xf32, #tpu.memory_space<hbm>>
    %dma_wait3A_178 = tpu.memref_slice %arg3[%multiple_of3A, %multiple_of3A_176] : memref<64x1000000xf32, #tpu.memory_space<hbm>> -> memref<8x3072xf32, #tpu.memory_space<hbm>>
    tpu.wait_dma2 semaphore(%arg13 : memref<!tpu.dma_semaphore, #tpu.memory_space<semaphore_mem>>) src(%arg5 : memref<8x3072xf32, #tpu.memory_space<vmem>>) dst(%dma_wait3A_178 : memref<8x3072xf32, #tpu.memory_space<hbm>>)
    %add3A_179 = arith.constant 27648 : i32
    %add3A_180 = arith.addi %multiple_of3A_35, %add3A_179 : i32
    %multiple_of3A_181 = tpu.assume_multiple %add3A_180, 128 : i32
    %dma_start3A_182 = tpu.memref_slice %arg2[%multiple_of3A, %multiple_of3A_181] : memref<64x1000000xf32, #tpu.memory_space<hbm>> -> memref<8x3072xf32, #tpu.memory_space<hbm>>
    %dma_start3A_183 = tpu.memref_slice %arg2[%multiple_of3A, %multiple_of3A_181] : memref<64x1000000xf32, #tpu.memory_space<hbm>> -> memref<8x3072xf32, #tpu.memory_space<hbm>>
    tpu.enqueue_dma source(%dma_start3A_183 : memref<8x3072xf32, #tpu.memory_space<hbm>>) target(%arg5 : memref<8x3072xf32, #tpu.memory_space<vmem>>) target_semaphore(%arg9 : memref<!tpu.dma_semaphore, #tpu.memory_space<semaphore_mem>>)
    %add3A_184 = arith.constant 21504 : i32
    %add3A_185 = arith.addi %multiple_of3A_35, %add3A_184 : i32
    %multiple_of3A_186 = tpu.assume_multiple %add3A_185, 128 : i32
    %dma_wait3A_187 = tpu.memref_slice %arg2[%multiple_of3A, %multiple_of3A_186] : memref<64x1000000xf32, #tpu.memory_space<hbm>> -> memref<8x3072xf32, #tpu.memory_space<hbm>>
    %dma_wait3A_188 = tpu.memref_slice %arg2[%multiple_of3A, %multiple_of3A_186] : memref<64x1000000xf32, #tpu.memory_space<hbm>> -> memref<8x3072xf32, #tpu.memory_space<hbm>>
    tpu.wait_dma2 semaphore(%arg11 : memref<!tpu.dma_semaphore, #tpu.memory_space<semaphore_mem>>) src(%dma_wait3A_188 : memref<8x3072xf32, #tpu.memory_space<hbm>>) dst(%arg7 : memref<8x3072xf32, #tpu.memory_space<vmem>>)
    %add3A_189 = arith.constant 21504 : i32
    %add3A_190 = arith.addi %multiple_of3A_35, %add3A_189 : i32
    %multiple_of3A_191 = tpu.assume_multiple %add3A_190, 128 : i32
    %dma_start3A_192 = tpu.memref_slice %arg3[%multiple_of3A, %multiple_of3A_191] : memref<64x1000000xf32, #tpu.memory_space<hbm>> -> memref<8x3072xf32, #tpu.memory_space<hbm>>
    %dma_start3A_193 = tpu.memref_slice %arg3[%multiple_of3A, %multiple_of3A_191] : memref<64x1000000xf32, #tpu.memory_space<hbm>> -> memref<8x3072xf32, #tpu.memory_space<hbm>>
    tpu.enqueue_dma source(%arg7 : memref<8x3072xf32, #tpu.memory_space<vmem>>) target(%dma_start3A_193 : memref<8x3072xf32, #tpu.memory_space<hbm>>) target_semaphore(%arg15 : memref<!tpu.dma_semaphore, #tpu.memory_space<semaphore_mem>>)
    %add3A_194 = arith.constant 18432 : i32
    %add3A_195 = arith.addi %multiple_of3A_35, %add3A_194 : i32
    %multiple_of3A_196 = tpu.assume_multiple %add3A_195, 128 : i32
    %dma_wait3A_197 = tpu.memref_slice %arg3[%multiple_of3A, %multiple_of3A_196] : memref<64x1000000xf32, #tpu.memory_space<hbm>> -> memref<8x3072xf32, #tpu.memory_space<hbm>>
    %dma_wait3A_198 = tpu.memref_slice %arg3[%multiple_of3A, %multiple_of3A_196] : memref<64x1000000xf32, #tpu.memory_space<hbm>> -> memref<8x3072xf32, #tpu.memory_space<hbm>>
    tpu.wait_dma2 semaphore(%arg14 : memref<!tpu.dma_semaphore, #tpu.memory_space<semaphore_mem>>) src(%arg6 : memref<8x3072xf32, #tpu.memory_space<vmem>>) dst(%dma_wait3A_198 : memref<8x3072xf32, #tpu.memory_space<hbm>>)
    %add3A_199 = arith.constant 30720 : i32
    %add3A_200 = arith.addi %multiple_of3A_35, %add3A_199 : i32
    %multiple_of3A_201 = tpu.assume_multiple %add3A_200, 128 : i32
    %dma_start3A_202 = tpu.memref_slice %arg2[%multiple_of3A, %multiple_of3A_201] : memref<64x1000000xf32, #tpu.memory_space<hbm>> -> memref<8x3072xf32, #tpu.memory_space<hbm>>
    %dma_start3A_203 = tpu.memref_slice %arg2[%multiple_of3A, %multiple_of3A_201] : memref<64x1000000xf32, #tpu.memory_space<hbm>> -> memref<8x3072xf32, #tpu.memory_space<hbm>>
    tpu.enqueue_dma source(%dma_start3A_203 : memref<8x3072xf32, #tpu.memory_space<hbm>>) target(%arg6 : memref<8x3072xf32, #tpu.memory_space<vmem>>) target_semaphore(%arg10 : memref<!tpu.dma_semaphore, #tpu.memory_space<semaphore_mem>>)
    %add3A_204 = arith.constant 24576 : i32
    %add3A_205 = arith.addi %multiple_of3A_35, %add3A_204 : i32
    %multiple_of3A_206 = tpu.assume_multiple %add3A_205, 128 : i32
    %dma_wait3A_207 = tpu.memref_slice %arg2[%multiple_of3A, %multiple_of3A_206] : memref<64x1000000xf32, #tpu.memory_space<hbm>> -> memref<8x3072xf32, #tpu.memory_space<hbm>>
    %dma_wait3A_208 = tpu.memref_slice %arg2[%multiple_of3A, %multiple_of3A_206] : memref<64x1000000xf32, #tpu.memory_space<hbm>> -> memref<8x3072xf32, #tpu.memory_space<hbm>>
    tpu.wait_dma2 semaphore(%arg8 : memref<!tpu.dma_semaphore, #tpu.memory_space<semaphore_mem>>) src(%dma_wait3A_208 : memref<8x3072xf32, #tpu.memory_space<hbm>>) dst(%arg4 : memref<8x3072xf32, #tpu.memory_space<vmem>>)
    %add3A_209 = arith.constant 24576 : i32
    %add3A_210 = arith.addi %multiple_of3A_35, %add3A_209 : i32
    %multiple_of3A_211 = tpu.assume_multiple %add3A_210, 128 : i32
    %dma_start3A_212 = tpu.memref_slice %arg3[%multiple_of3A, %multiple_of3A_211] : memref<64x1000000xf32, #tpu.memory_space<hbm>> -> memref<8x3072xf32, #tpu.memory_space<hbm>>
    %dma_start3A_213 = tpu.memref_slice %arg3[%multiple_of3A, %multiple_of3A_211] : memref<64x1000000xf32, #tpu.memory_space<hbm>> -> memref<8x3072xf32, #tpu.memory_space<hbm>>
    tpu.enqueue_dma source(%arg4 : memref<8x3072xf32, #tpu.memory_space<vmem>>) target(%dma_start3A_213 : memref<8x3072xf32, #tpu.memory_space<hbm>>) target_semaphore(%arg12 : memref<!tpu.dma_semaphore, #tpu.memory_space<semaphore_mem>>)
    %add3A_214 = arith.constant 21504 : i32
    %add3A_215 = arith.addi %multiple_of3A_35, %add3A_214 : i32
    %multiple_of3A_216 = tpu.assume_multiple %add3A_215, 128 : i32
    %dma_wait3A_217 = tpu.memref_slice %arg3[%multiple_of3A, %multiple_of3A_216] : memref<64x1000000xf32, #tpu.memory_space<hbm>> -> memref<8x3072xf32, #tpu.memory_space<hbm>>
    %dma_wait3A_218 = tpu.memref_slice %arg3[%multiple_of3A, %multiple_of3A_216] : memref<64x1000000xf32, #tpu.memory_space<hbm>> -> memref<8x3072xf32, #tpu.memory_space<hbm>>
    tpu.wait_dma2 semaphore(%arg15 : memref<!tpu.dma_semaphore, #tpu.memory_space<semaphore_mem>>) src(%arg7 : memref<8x3072xf32, #tpu.memory_space<vmem>>) dst(%dma_wait3A_218 : memref<8x3072xf32, #tpu.memory_space<hbm>>)
    %add3A_219 = arith.constant 33792 : i32
    %add3A_220 = arith.addi %multiple_of3A_35, %add3A_219 : i32
    %multiple_of3A_221 = tpu.assume_multiple %add3A_220, 128 : i32
    %dma_start3A_222 = tpu.memref_slice %arg2[%multiple_of3A, %multiple_of3A_221] : memref<64x1000000xf32, #tpu.memory_space<hbm>> -> memref<8x3072xf32, #tpu.memory_space<hbm>>
    %dma_start3A_223 = tpu.memref_slice %arg2[%multiple_of3A, %multiple_of3A_221] : memref<64x1000000xf32, #tpu.memory_space<hbm>> -> memref<8x3072xf32, #tpu.memory_space<hbm>>
    tpu.enqueue_dma source(%dma_start3A_223 : memref<8x3072xf32, #tpu.memory_space<hbm>>) target(%arg7 : memref<8x3072xf32, #tpu.memory_space<vmem>>) target_semaphore(%arg11 : memref<!tpu.dma_semaphore, #tpu.memory_space<semaphore_mem>>)
    %add3A_224 = arith.constant 27648 : i32
    %add3A_225 = arith.addi %multiple_of3A_35, %add3A_224 : i32
    %multiple_of3A_226 = tpu.assume_multiple %add3A_225, 128 : i32
    %dma_wait3A_227 = tpu.memref_slice %arg2[%multiple_of3A, %multiple_of3A_226] : memref<64x1000000xf32, #tpu.memory_space<hbm>> -> memref<8x3072xf32, #tpu.memory_space<hbm>>
    %dma_wait3A_228 = tpu.memref_slice %arg2[%multiple_of3A, %multiple_of3A_226] : memref<64x1000000xf32, #tpu.memory_space<hbm>> -> memref<8x3072xf32, #tpu.memory_space<hbm>>
    tpu.wait_dma2 semaphore(%arg9 : memref<!tpu.dma_semaphore, #tpu.memory_space<semaphore_mem>>) src(%dma_wait3A_228 : memref<8x3072xf32, #tpu.memory_space<hbm>>) dst(%arg5 : memref<8x3072xf32, #tpu.memory_space<vmem>>)
    %add3A_229 = arith.constant 27648 : i32
    %add3A_230 = arith.addi %multiple_of3A_35, %add3A_229 : i32
    %multiple_of3A_231 = tpu.assume_multiple %add3A_230, 128 : i32
    %dma_start3A_232 = tpu.memref_slice %arg3[%multiple_of3A, %multiple_of3A_231] : memref<64x1000000xf32, #tpu.memory_space<hbm>> -> memref<8x3072xf32, #tpu.memory_space<hbm>>
    %dma_start3A_233 = tpu.memref_slice %arg3[%multiple_of3A, %multiple_of3A_231] : memref<64x1000000xf32, #tpu.memory_space<hbm>> -> memref<8x3072xf32, #tpu.memory_space<hbm>>
    tpu.enqueue_dma source(%arg5 : memref<8x3072xf32, #tpu.memory_space<vmem>>) target(%dma_start3A_233 : memref<8x3072xf32, #tpu.memory_space<hbm>>) target_semaphore(%arg13 : memref<!tpu.dma_semaphore, #tpu.memory_space<semaphore_mem>>)
    %add3A_234 = arith.constant 24576 : i32
    %add3A_235 = arith.addi %multiple_of3A_35, %add3A_234 : i32
    %multiple_of3A_236 = tpu.assume_multiple %add3A_235, 128 : i32
    %dma_wait3A_237 = tpu.memref_slice %arg3[%multiple_of3A, %multiple_of3A_236] : memref<64x1000000xf32, #tpu.memory_space<hbm>> -> memref<8x3072xf32, #tpu.memory_space<hbm>>
    %dma_wait3A_238 = tpu.memref_slice %arg3[%multiple_of3A, %multiple_of3A_236] : memref<64x1000000xf32, #tpu.memory_space<hbm>> -> memref<8x3072xf32, #tpu.memory_space<hbm>>
    tpu.wait_dma2 semaphore(%arg12 : memref<!tpu.dma_semaphore, #tpu.memory_space<semaphore_mem>>) src(%arg4 : memref<8x3072xf32, #tpu.memory_space<vmem>>) dst(%dma_wait3A_238 : memref<8x3072xf32, #tpu.memory_space<hbm>>)
    %add3A_239 = arith.constant 36864 : i32
    %add3A_240 = arith.addi %multiple_of3A_35, %add3A_239 : i32
    %multiple_of3A_241 = tpu.assume_multiple %add3A_240, 128 : i32
    %dma_start3A_242 = tpu.memref_slice %arg2[%multiple_of3A, %multiple_of3A_241] : memref<64x1000000xf32, #tpu.memory_space<hbm>> -> memref<8x3072xf32, #tpu.memory_space<hbm>>
    %dma_start3A_243 = tpu.memref_slice %arg2[%multiple_of3A, %multiple_of3A_241] : memref<64x1000000xf32, #tpu.memory_space<hbm>> -> memref<8x3072xf32, #tpu.memory_space<hbm>>
    tpu.enqueue_dma source(%dma_start3A_243 : memref<8x3072xf32, #tpu.memory_space<hbm>>) target(%arg4 : memref<8x3072xf32, #tpu.memory_space<vmem>>) target_semaphore(%arg8 : memref<!tpu.dma_semaphore, #tpu.memory_space<semaphore_mem>>)
    %add3A_244 = arith.constant 30720 : i32
    %add3A_245 = arith.addi %multiple_of3A_35, %add3A_244 : i32
    %multiple_of3A_246 = tpu.assume_multiple %add3A_245, 128 : i32
    %dma_wait3A_247 = tpu.memref_slice %arg2[%multiple_of3A, %multiple_of3A_246] : memref<64x1000000xf32, #tpu.memory_space<hbm>> -> memref<8x3072xf32, #tpu.memory_space<hbm>>
    %dma_wait3A_248 = tpu.memref_slice %arg2[%multiple_of3A, %multiple_of3A_246] : memref<64x1000000xf32, #tpu.memory_space<hbm>> -> memref<8x3072xf32, #tpu.memory_space<hbm>>
    tpu.wait_dma2 semaphore(%arg10 : memref<!tpu.dma_semaphore, #tpu.memory_space<semaphore_mem>>) src(%dma_wait3A_248 : memref<8x3072xf32, #tpu.memory_space<hbm>>) dst(%arg6 : memref<8x3072xf32, #tpu.memory_space<vmem>>)
    %add3A_249 = arith.constant 30720 : i32
    %add3A_250 = arith.addi %multiple_of3A_35, %add3A_249 : i32
    %multiple_of3A_251 = tpu.assume_multiple %add3A_250, 128 : i32
    %dma_start3A_252 = tpu.memref_slice %arg3[%multiple_of3A, %multiple_of3A_251] : memref<64x1000000xf32, #tpu.memory_space<hbm>> -> memref<8x3072xf32, #tpu.memory_space<hbm>>
    %dma_start3A_253 = tpu.memref_slice %arg3[%multiple_of3A, %multiple_of3A_251] : memref<64x1000000xf32, #tpu.memory_space<hbm>> -> memref<8x3072xf32, #tpu.memory_space<hbm>>
    tpu.enqueue_dma source(%arg6 : memref<8x3072xf32, #tpu.memory_space<vmem>>) target(%dma_start3A_253 : memref<8x3072xf32, #tpu.memory_space<hbm>>) target_semaphore(%arg14 : memref<!tpu.dma_semaphore, #tpu.memory_space<semaphore_mem>>)
    %add3A_254 = arith.constant 27648 : i32
    %add3A_255 = arith.addi %multiple_of3A_35, %add3A_254 : i32
    %multiple_of3A_256 = tpu.assume_multiple %add3A_255, 128 : i32
    %dma_wait3A_257 = tpu.memref_slice %arg3[%multiple_of3A, %multiple_of3A_256] : memref<64x1000000xf32, #tpu.memory_space<hbm>> -> memref<8x3072xf32, #tpu.memory_space<hbm>>
    %dma_wait3A_258 = tpu.memref_slice %arg3[%multiple_of3A, %multiple_of3A_256] : memref<64x1000000xf32, #tpu.memory_space<hbm>> -> memref<8x3072xf32, #tpu.memory_space<hbm>>
    tpu.wait_dma2 semaphore(%arg13 : memref<!tpu.dma_semaphore, #tpu.memory_space<semaphore_mem>>) src(%arg5 : memref<8x3072xf32, #tpu.memory_space<vmem>>) dst(%dma_wait3A_258 : memref<8x3072xf32, #tpu.memory_space<hbm>>)
    %add3A_259 = arith.constant 39936 : i32
    %add3A_260 = arith.addi %multiple_of3A_35, %add3A_259 : i32
    %multiple_of3A_261 = tpu.assume_multiple %add3A_260, 128 : i32
    %dma_start3A_262 = tpu.memref_slice %arg2[%multiple_of3A, %multiple_of3A_261] : memref<64x1000000xf32, #tpu.memory_space<hbm>> -> memref<8x3072xf32, #tpu.memory_space<hbm>>
    %dma_start3A_263 = tpu.memref_slice %arg2[%multiple_of3A, %multiple_of3A_261] : memref<64x1000000xf32, #tpu.memory_space<hbm>> -> memref<8x3072xf32, #tpu.memory_space<hbm>>
    tpu.enqueue_dma source(%dma_start3A_263 : memref<8x3072xf32, #tpu.memory_space<hbm>>) target(%arg5 : memref<8x3072xf32, #tpu.memory_space<vmem>>) target_semaphore(%arg9 : memref<!tpu.dma_semaphore, #tpu.memory_space<semaphore_mem>>)
    %add3A_264 = arith.constant 33792 : i32
    %add3A_265 = arith.addi %multiple_of3A_35, %add3A_264 : i32
    %multiple_of3A_266 = tpu.assume_multiple %add3A_265, 128 : i32
    %dma_wait3A_267 = tpu.memref_slice %arg2[%multiple_of3A, %multiple_of3A_266] : memref<64x1000000xf32, #tpu.memory_space<hbm>> -> memref<8x3072xf32, #tpu.memory_space<hbm>>
    %dma_wait3A_268 = tpu.memref_slice %arg2[%multiple_of3A, %multiple_of3A_266] : memref<64x1000000xf32, #tpu.memory_space<hbm>> -> memref<8x3072xf32, #tpu.memory_space<hbm>>
    tpu.wait_dma2 semaphore(%arg11 : memref<!tpu.dma_semaphore, #tpu.memory_space<semaphore_mem>>) src(%dma_wait3A_268 : memref<8x3072xf32, #tpu.memory_space<hbm>>) dst(%arg7 : memref<8x3072xf32, #tpu.memory_space<vmem>>)
    %add3A_269 = arith.constant 33792 : i32
    %add3A_270 = arith.addi %multiple_of3A_35, %add3A_269 : i32
    %multiple_of3A_271 = tpu.assume_multiple %add3A_270, 128 : i32
    %dma_start3A_272 = tpu.memref_slice %arg3[%multiple_of3A, %multiple_of3A_271] : memref<64x1000000xf32, #tpu.memory_space<hbm>> -> memref<8x3072xf32, #tpu.memory_space<hbm>>
    %dma_start3A_273 = tpu.memref_slice %arg3[%multiple_of3A, %multiple_of3A_271] : memref<64x1000000xf32, #tpu.memory_space<hbm>> -> memref<8x3072xf32, #tpu.memory_space<hbm>>
    tpu.enqueue_dma source(%arg7 : memref<8x3072xf32, #tpu.memory_space<vmem>>) target(%dma_start3A_273 : memref<8x3072xf32, #tpu.memory_space<hbm>>) target_semaphore(%arg15 : memref<!tpu.dma_semaphore, #tpu.memory_space<semaphore_mem>>)
    %add3A_274 = arith.constant 30720 : i32
    %add3A_275 = arith.addi %multiple_of3A_35, %add3A_274 : i32
    %multiple_of3A_276 = tpu.assume_multiple %add3A_275, 128 : i32
    %dma_wait3A_277 = tpu.memref_slice %arg3[%multiple_of3A, %multiple_of3A_276] : memref<64x1000000xf32, #tpu.memory_space<hbm>> -> memref<8x3072xf32, #tpu.memory_space<hbm>>
    %dma_wait3A_278 = tpu.memref_slice %arg3[%multiple_of3A, %multiple_of3A_276] : memref<64x1000000xf32, #tpu.memory_space<hbm>> -> memref<8x3072xf32, #tpu.memory_space<hbm>>
    tpu.wait_dma2 semaphore(%arg14 : memref<!tpu.dma_semaphore, #tpu.memory_space<semaphore_mem>>) src(%arg6 : memref<8x3072xf32, #tpu.memory_space<vmem>>) dst(%dma_wait3A_278 : memref<8x3072xf32, #tpu.memory_space<hbm>>)
    %add3A_279 = arith.constant 43008 : i32
    %add3A_280 = arith.addi %multiple_of3A_35, %add3A_279 : i32
    %multiple_of3A_281 = tpu.assume_multiple %add3A_280, 128 : i32
    %dma_start3A_282 = tpu.memref_slice %arg2[%multiple_of3A, %multiple_of3A_281] : memref<64x1000000xf32, #tpu.memory_space<hbm>> -> memref<8x3072xf32, #tpu.memory_space<hbm>>
    %dma_start3A_283 = tpu.memref_slice %arg2[%multiple_of3A, %multiple_of3A_281] : memref<64x1000000xf32, #tpu.memory_space<hbm>> -> memref<8x3072xf32, #tpu.memory_space<hbm>>
    tpu.enqueue_dma source(%dma_start3A_283 : memref<8x3072xf32, #tpu.memory_space<hbm>>) target(%arg6 : memref<8x3072xf32, #tpu.memory_space<vmem>>) target_semaphore(%arg10 : memref<!tpu.dma_semaphore, #tpu.memory_space<semaphore_mem>>)
    %add3A_284 = arith.constant 36864 : i32
    %add3A_285 = arith.addi %multiple_of3A_35, %add3A_284 : i32
    %multiple_of3A_286 = tpu.assume_multiple %add3A_285, 128 : i32
    %dma_wait3A_287 = tpu.memref_slice %arg2[%multiple_of3A, %multiple_of3A_286] : memref<64x1000000xf32, #tpu.memory_space<hbm>> -> memref<8x3072xf32, #tpu.memory_space<hbm>>
    %dma_wait3A_288 = tpu.memref_slice %arg2[%multiple_of3A, %multiple_of3A_286] : memref<64x1000000xf32, #tpu.memory_space<hbm>> -> memref<8x3072xf32, #tpu.memory_space<hbm>>
    tpu.wait_dma2 semaphore(%arg8 : memref<!tpu.dma_semaphore, #tpu.memory_space<semaphore_mem>>) src(%dma_wait3A_288 : memref<8x3072xf32, #tpu.memory_space<hbm>>) dst(%arg4 : memref<8x3072xf32, #tpu.memory_space<vmem>>)
    %add3A_289 = arith.constant 36864 : i32
    %add3A_290 = arith.addi %multiple_of3A_35, %add3A_289 : i32
    %multiple_of3A_291 = tpu.assume_multiple %add3A_290, 128 : i32
    %dma_start3A_292 = tpu.memref_slice %arg3[%multiple_of3A, %multiple_of3A_291] : memref<64x1000000xf32, #tpu.memory_space<hbm>> -> memref<8x3072xf32, #tpu.memory_space<hbm>>
    %dma_start3A_293 = tpu.memref_slice %arg3[%multiple_of3A, %multiple_of3A_291] : memref<64x1000000xf32, #tpu.memory_space<hbm>> -> memref<8x3072xf32, #tpu.memory_space<hbm>>
    tpu.enqueue_dma source(%arg4 : memref<8x3072xf32, #tpu.memory_space<vmem>>) target(%dma_start3A_293 : memref<8x3072xf32, #tpu.memory_space<hbm>>) target_semaphore(%arg12 : memref<!tpu.dma_semaphore, #tpu.memory_space<semaphore_mem>>)
    %add3A_294 = arith.constant 33792 : i32
    %add3A_295 = arith.addi %multiple_of3A_35, %add3A_294 : i32
    %multiple_of3A_296 = tpu.assume_multiple %add3A_295, 128 : i32
    %dma_wait3A_297 = tpu.memref_slice %arg3[%multiple_of3A, %multiple_of3A_296] : memref<64x1000000xf32, #tpu.memory_space<hbm>> -> memref<8x3072xf32, #tpu.memory_space<hbm>>
    %dma_wait3A_298 = tpu.memref_slice %arg3[%multiple_of3A, %multiple_of3A_296] : memref<64x1000000xf32, #tpu.memory_space<hbm>> -> memref<8x3072xf32, #tpu.memory_space<hbm>>
    tpu.wait_dma2 semaphore(%arg15 : memref<!tpu.dma_semaphore, #tpu.memory_space<semaphore_mem>>) src(%arg7 : memref<8x3072xf32, #tpu.memory_space<vmem>>) dst(%dma_wait3A_298 : memref<8x3072xf32, #tpu.memory_space<hbm>>)
    %add3A_299 = arith.constant 46080 : i32
    %add3A_300 = arith.addi %multiple_of3A_35, %add3A_299 : i32
    %multiple_of3A_301 = tpu.assume_multiple %add3A_300, 128 : i32
    %dma_start3A_302 = tpu.memref_slice %arg2[%multiple_of3A, %multiple_of3A_301] : memref<64x1000000xf32, #tpu.memory_space<hbm>> -> memref<8x3072xf32, #tpu.memory_space<hbm>>
    %dma_start3A_303 = tpu.memref_slice %arg2[%multiple_of3A, %multiple_of3A_301] : memref<64x1000000xf32, #tpu.memory_space<hbm>> -> memref<8x3072xf32, #tpu.memory_space<hbm>>
    tpu.enqueue_dma source(%dma_start3A_303 : memref<8x3072xf32, #tpu.memory_space<hbm>>) target(%arg7 : memref<8x3072xf32, #tpu.memory_space<vmem>>) target_semaphore(%arg11 : memref<!tpu.dma_semaphore, #tpu.memory_space<semaphore_mem>>)
    %add3A_304 = arith.constant 39936 : i32
    %add3A_305 = arith.addi %multiple_of3A_35, %add3A_304 : i32
    %multiple_of3A_306 = tpu.assume_multiple %add3A_305, 128 : i32
    %dma_wait3A_307 = tpu.memref_slice %arg2[%multiple_of3A, %multiple_of3A_306] : memref<64x1000000xf32, #tpu.memory_space<hbm>> -> memref<8x3072xf32, #tpu.memory_space<hbm>>
    %dma_wait3A_308 = tpu.memref_slice %arg2[%multiple_of3A, %multiple_of3A_306] : memref<64x1000000xf32, #tpu.memory_space<hbm>> -> memref<8x3072xf32, #tpu.memory_space<hbm>>
    tpu.wait_dma2 semaphore(%arg9 : memref<!tpu.dma_semaphore, #tpu.memory_space<semaphore_mem>>) src(%dma_wait3A_308 : memref<8x3072xf32, #tpu.memory_space<hbm>>) dst(%arg5 : memref<8x3072xf32, #tpu.memory_space<vmem>>)
    %add3A_309 = arith.constant 39936 : i32
    %add3A_310 = arith.addi %multiple_of3A_35, %add3A_309 : i32
    %multiple_of3A_311 = tpu.assume_multiple %add3A_310, 128 : i32
    %dma_start3A_312 = tpu.memref_slice %arg3[%multiple_of3A, %multiple_of3A_311] : memref<64x1000000xf32, #tpu.memory_space<hbm>> -> memref<8x3072xf32, #tpu.memory_space<hbm>>
    %dma_start3A_313 = tpu.memref_slice %arg3[%multiple_of3A, %multiple_of3A_311] : memref<64x1000000xf32, #tpu.memory_space<hbm>> -> memref<8x3072xf32, #tpu.memory_space<hbm>>
    tpu.enqueue_dma source(%arg5 : memref<8x3072xf32, #tpu.memory_space<vmem>>) target(%dma_start3A_313 : memref<8x3072xf32, #tpu.memory_space<hbm>>) target_semaphore(%arg13 : memref<!tpu.dma_semaphore, #tpu.memory_space<semaphore_mem>>)
    %add3A_314 = arith.constant 36864 : i32
    %add3A_315 = arith.addi %multiple_of3A_35, %add3A_314 : i32
    %multiple_of3A_316 = tpu.assume_multiple %add3A_315, 128 : i32
    %dma_wait3A_317 = tpu.memref_slice %arg3[%multiple_of3A, %multiple_of3A_316] : memref<64x1000000xf32, #tpu.memory_space<hbm>> -> memref<8x3072xf32, #tpu.memory_space<hbm>>
    %dma_wait3A_318 = tpu.memref_slice %arg3[%multiple_of3A, %multiple_of3A_316] : memref<64x1000000xf32, #tpu.memory_space<hbm>> -> memref<8x3072xf32, #tpu.memory_space<hbm>>
    tpu.wait_dma2 semaphore(%arg12 : memref<!tpu.dma_semaphore, #tpu.memory_space<semaphore_mem>>) src(%arg4 : memref<8x3072xf32, #tpu.memory_space<vmem>>) dst(%dma_wait3A_318 : memref<8x3072xf32, #tpu.memory_space<hbm>>)
    %add3A_319 = arith.constant 49152 : i32
    %add3A_320 = arith.addi %multiple_of3A_35, %add3A_319 : i32
    %multiple_of3A_321 = tpu.assume_multiple %add3A_320, 128 : i32
    %dma_start3A_322 = tpu.memref_slice %arg2[%multiple_of3A, %multiple_of3A_321] : memref<64x1000000xf32, #tpu.memory_space<hbm>> -> memref<8x3072xf32, #tpu.memory_space<hbm>>
    %dma_start3A_323 = tpu.memref_slice %arg2[%multiple_of3A, %multiple_of3A_321] : memref<64x1000000xf32, #tpu.memory_space<hbm>> -> memref<8x3072xf32, #tpu.memory_space<hbm>>
    tpu.enqueue_dma source(%dma_start3A_323 : memref<8x3072xf32, #tpu.memory_space<hbm>>) target(%arg4 : memref<8x3072xf32, #tpu.memory_space<vmem>>) target_semaphore(%arg8 : memref<!tpu.dma_semaphore, #tpu.memory_space<semaphore_mem>>)
    %add3A_324 = arith.constant 43008 : i32
    %add3A_325 = arith.addi %multiple_of3A_35, %add3A_324 : i32
    %multiple_of3A_326 = tpu.assume_multiple %add3A_325, 128 : i32
    %dma_wait3A_327 = tpu.memref_slice %arg2[%multiple_of3A, %multiple_of3A_326] : memref<64x1000000xf32, #tpu.memory_space<hbm>> -> memref<8x3072xf32, #tpu.memory_space<hbm>>
    %dma_wait3A_328 = tpu.memref_slice %arg2[%multiple_of3A, %multiple_of3A_326] : memref<64x1000000xf32, #tpu.memory_space<hbm>> -> memref<8x3072xf32, #tpu.memory_space<hbm>>
    tpu.wait_dma2 semaphore(%arg10 : memref<!tpu.dma_semaphore, #tpu.memory_space<semaphore_mem>>) src(%dma_wait3A_328 : memref<8x3072xf32, #tpu.memory_space<hbm>>) dst(%arg6 : memref<8x3072xf32, #tpu.memory_space<vmem>>)
    %add3A_329 = arith.constant 43008 : i32
    %add3A_330 = arith.addi %multiple_of3A_35, %add3A_329 : i32
    %multiple_of3A_331 = tpu.assume_multiple %add3A_330, 128 : i32
    %dma_start3A_332 = tpu.memref_slice %arg3[%multiple_of3A, %multiple_of3A_331] : memref<64x1000000xf32, #tpu.memory_space<hbm>> -> memref<8x3072xf32, #tpu.memory_space<hbm>>
    %dma_start3A_333 = tpu.memref_slice %arg3[%multiple_of3A, %multiple_of3A_331] : memref<64x1000000xf32, #tpu.memory_space<hbm>> -> memref<8x3072xf32, #tpu.memory_space<hbm>>
    tpu.enqueue_dma source(%arg6 : memref<8x3072xf32, #tpu.memory_space<vmem>>) target(%dma_start3A_333 : memref<8x3072xf32, #tpu.memory_space<hbm>>) target_semaphore(%arg14 : memref<!tpu.dma_semaphore, #tpu.memory_space<semaphore_mem>>)
    %add3A_334 = arith.constant 39936 : i32
    %add3A_335 = arith.addi %multiple_of3A_35, %add3A_334 : i32
    %multiple_of3A_336 = tpu.assume_multiple %add3A_335, 128 : i32
    %dma_wait3A_337 = tpu.memref_slice %arg3[%multiple_of3A, %multiple_of3A_336] : memref<64x1000000xf32, #tpu.memory_space<hbm>> -> memref<8x3072xf32, #tpu.memory_space<hbm>>
    %dma_wait3A_338 = tpu.memref_slice %arg3[%multiple_of3A, %multiple_of3A_336] : memref<64x1000000xf32, #tpu.memory_space<hbm>> -> memref<8x3072xf32, #tpu.memory_space<hbm>>
    tpu.wait_dma2 semaphore(%arg13 : memref<!tpu.dma_semaphore, #tpu.memory_space<semaphore_mem>>) src(%arg5 : memref<8x3072xf32, #tpu.memory_space<vmem>>) dst(%dma_wait3A_338 : memref<8x3072xf32, #tpu.memory_space<hbm>>)
    %add3A_339 = arith.constant 52224 : i32
    %add3A_340 = arith.addi %multiple_of3A_35, %add3A_339 : i32
    %multiple_of3A_341 = tpu.assume_multiple %add3A_340, 128 : i32
    %dma_start3A_342 = tpu.memref_slice %arg2[%multiple_of3A, %multiple_of3A_341] : memref<64x1000000xf32, #tpu.memory_space<hbm>> -> memref<8x3072xf32, #tpu.memory_space<hbm>>
    %dma_start3A_343 = tpu.memref_slice %arg2[%multiple_of3A, %multiple_of3A_341] : memref<64x1000000xf32, #tpu.memory_space<hbm>> -> memref<8x3072xf32, #tpu.memory_space<hbm>>
    tpu.enqueue_dma source(%dma_start3A_343 : memref<8x3072xf32, #tpu.memory_space<hbm>>) target(%arg5 : memref<8x3072xf32, #tpu.memory_space<vmem>>) target_semaphore(%arg9 : memref<!tpu.dma_semaphore, #tpu.memory_space<semaphore_mem>>)
    %add3A_344 = arith.constant 46080 : i32
    %add3A_345 = arith.addi %multiple_of3A_35, %add3A_344 : i32
    %multiple_of3A_346 = tpu.assume_multiple %add3A_345, 128 : i32
    %dma_wait3A_347 = tpu.memref_slice %arg2[%multiple_of3A, %multiple_of3A_346] : memref<64x1000000xf32, #tpu.memory_space<hbm>> -> memref<8x3072xf32, #tpu.memory_space<hbm>>
    %dma_wait3A_348 = tpu.memref_slice %arg2[%multiple_of3A, %multiple_of3A_346] : memref<64x1000000xf32, #tpu.memory_space<hbm>> -> memref<8x3072xf32, #tpu.memory_space<hbm>>
    tpu.wait_dma2 semaphore(%arg11 : memref<!tpu.dma_semaphore, #tpu.memory_space<semaphore_mem>>) src(%dma_wait3A_348 : memref<8x3072xf32, #tpu.memory_space<hbm>>) dst(%arg7 : memref<8x3072xf32, #tpu.memory_space<vmem>>)
    %add3A_349 = arith.constant 46080 : i32
    %add3A_350 = arith.addi %multiple_of3A_35, %add3A_349 : i32
    %multiple_of3A_351 = tpu.assume_multiple %add3A_350, 128 : i32
    %dma_start3A_352 = tpu.memref_slice %arg3[%multiple_of3A, %multiple_of3A_351] : memref<64x1000000xf32, #tpu.memory_space<hbm>> -> memref<8x3072xf32, #tpu.memory_space<hbm>>
    %dma_start3A_353 = tpu.memref_slice %arg3[%multiple_of3A, %multiple_of3A_351] : memref<64x1000000xf32, #tpu.memory_space<hbm>> -> memref<8x3072xf32, #tpu.memory_space<hbm>>
    tpu.enqueue_dma source(%arg7 : memref<8x3072xf32, #tpu.memory_space<vmem>>) target(%dma_start3A_353 : memref<8x3072xf32, #tpu.memory_space<hbm>>) target_semaphore(%arg15 : memref<!tpu.dma_semaphore, #tpu.memory_space<semaphore_mem>>)
    %add3A_354 = arith.constant 43008 : i32
    %add3A_355 = arith.addi %multiple_of3A_35, %add3A_354 : i32
    %multiple_of3A_356 = tpu.assume_multiple %add3A_355, 128 : i32
    %dma_wait3A_357 = tpu.memref_slice %arg3[%multiple_of3A, %multiple_of3A_356] : memref<64x1000000xf32, #tpu.memory_space<hbm>> -> memref<8x3072xf32, #tpu.memory_space<hbm>>
    %dma_wait3A_358 = tpu.memref_slice %arg3[%multiple_of3A, %multiple_of3A_356] : memref<64x1000000xf32, #tpu.memory_space<hbm>> -> memref<8x3072xf32, #tpu.memory_space<hbm>>
    tpu.wait_dma2 semaphore(%arg14 : memref<!tpu.dma_semaphore, #tpu.memory_space<semaphore_mem>>) src(%arg6 : memref<8x3072xf32, #tpu.memory_space<vmem>>) dst(%dma_wait3A_358 : memref<8x3072xf32, #tpu.memory_space<hbm>>)
    %add3A_359 = arith.constant 55296 : i32
    %add3A_360 = arith.addi %multiple_of3A_35, %add3A_359 : i32
    %multiple_of3A_361 = tpu.assume_multiple %add3A_360, 128 : i32
    %dma_start3A_362 = tpu.memref_slice %arg2[%multiple_of3A, %multiple_of3A_361] : memref<64x1000000xf32, #tpu.memory_space<hbm>> -> memref<8x3072xf32, #tpu.memory_space<hbm>>
    %dma_start3A_363 = tpu.memref_slice %arg2[%multiple_of3A, %multiple_of3A_361] : memref<64x1000000xf32, #tpu.memory_space<hbm>> -> memref<8x3072xf32, #tpu.memory_space<hbm>>
    tpu.enqueue_dma source(%dma_start3A_363 : memref<8x3072xf32, #tpu.memory_space<hbm>>) target(%arg6 : memref<8x3072xf32, #tpu.memory_space<vmem>>) target_semaphore(%arg10 : memref<!tpu.dma_semaphore, #tpu.memory_space<semaphore_mem>>)
    %add3A_364 = arith.constant 49152 : i32
    %add3A_365 = arith.addi %multiple_of3A_35, %add3A_364 : i32
    %multiple_of3A_366 = tpu.assume_multiple %add3A_365, 128 : i32
    %dma_wait3A_367 = tpu.memref_slice %arg2[%multiple_of3A, %multiple_of3A_366] : memref<64x1000000xf32, #tpu.memory_space<hbm>> -> memref<8x3072xf32, #tpu.memory_space<hbm>>
    %dma_wait3A_368 = tpu.memref_slice %arg2[%multiple_of3A, %multiple_of3A_366] : memref<64x1000000xf32, #tpu.memory_space<hbm>> -> memref<8x3072xf32, #tpu.memory_space<hbm>>
    tpu.wait_dma2 semaphore(%arg8 : memref<!tpu.dma_semaphore, #tpu.memory_space<semaphore_mem>>) src(%dma_wait3A_368 : memref<8x3072xf32, #tpu.memory_space<hbm>>) dst(%arg4 : memref<8x3072xf32, #tpu.memory_space<vmem>>)
    %add3A_369 = arith.constant 49152 : i32
    %add3A_370 = arith.addi %multiple_of3A_35, %add3A_369 : i32
    %multiple_of3A_371 = tpu.assume_multiple %add3A_370, 128 : i32
    %dma_start3A_372 = tpu.memref_slice %arg3[%multiple_of3A, %multiple_of3A_371] : memref<64x1000000xf32, #tpu.memory_space<hbm>> -> memref<8x3072xf32, #tpu.memory_space<hbm>>
    %dma_start3A_373 = tpu.memref_slice %arg3[%multiple_of3A, %multiple_of3A_371] : memref<64x1000000xf32, #tpu.memory_space<hbm>> -> memref<8x3072xf32, #tpu.memory_space<hbm>>
    tpu.enqueue_dma source(%arg4 : memref<8x3072xf32, #tpu.memory_space<vmem>>) target(%dma_start3A_373 : memref<8x3072xf32, #tpu.memory_space<hbm>>) target_semaphore(%arg12 : memref<!tpu.dma_semaphore, #tpu.memory_space<semaphore_mem>>)
    %add3A_374 = arith.constant 46080 : i32
    %add3A_375 = arith.addi %multiple_of3A_35, %add3A_374 : i32
    %multiple_of3A_376 = tpu.assume_multiple %add3A_375, 128 : i32
    %dma_wait3A_377 = tpu.memref_slice %arg3[%multiple_of3A, %multiple_of3A_376] : memref<64x1000000xf32, #tpu.memory_space<hbm>> -> memref<8x3072xf32, #tpu.memory_space<hbm>>
    %dma_wait3A_378 = tpu.memref_slice %arg3[%multiple_of3A, %multiple_of3A_376] : memref<64x1000000xf32, #tpu.memory_space<hbm>> -> memref<8x3072xf32, #tpu.memory_space<hbm>>
    tpu.wait_dma2 semaphore(%arg15 : memref<!tpu.dma_semaphore, #tpu.memory_space<semaphore_mem>>) src(%arg7 : memref<8x3072xf32, #tpu.memory_space<vmem>>) dst(%dma_wait3A_378 : memref<8x3072xf32, #tpu.memory_space<hbm>>)
    %add3A_379 = arith.constant 58368 : i32
    %add3A_380 = arith.addi %multiple_of3A_35, %add3A_379 : i32
    %multiple_of3A_381 = tpu.assume_multiple %add3A_380, 128 : i32
    %dma_start3A_382 = tpu.memref_slice %arg2[%multiple_of3A, %multiple_of3A_381] : memref<64x1000000xf32, #tpu.memory_space<hbm>> -> memref<8x3072xf32, #tpu.memory_space<hbm>>
    %dma_start3A_383 = tpu.memref_slice %arg2[%multiple_of3A, %multiple_of3A_381] : memref<64x1000000xf32, #tpu.memory_space<hbm>> -> memref<8x3072xf32, #tpu.memory_space<hbm>>
    tpu.enqueue_dma source(%dma_start3A_383 : memref<8x3072xf32, #tpu.memory_space<hbm>>) target(%arg7 : memref<8x3072xf32, #tpu.memory_space<vmem>>) target_semaphore(%arg11 : memref<!tpu.dma_semaphore, #tpu.memory_space<semaphore_mem>>)
    %add3A_384 = arith.constant 52224 : i32
    %add3A_385 = arith.addi %multiple_of3A_35, %add3A_384 : i32
    %multiple_of3A_386 = tpu.assume_multiple %add3A_385, 128 : i32
    %dma_wait3A_387 = tpu.memref_slice %arg2[%multiple_of3A, %multiple_of3A_386] : memref<64x1000000xf32, #tpu.memory_space<hbm>> -> memref<8x3072xf32, #tpu.memory_space<hbm>>
    %dma_wait3A_388 = tpu.memref_slice %arg2[%multiple_of3A, %multiple_of3A_386] : memref<64x1000000xf32, #tpu.memory_space<hbm>> -> memref<8x3072xf32, #tpu.memory_space<hbm>>
    tpu.wait_dma2 semaphore(%arg9 : memref<!tpu.dma_semaphore, #tpu.memory_space<semaphore_mem>>) src(%dma_wait3A_388 : memref<8x3072xf32, #tpu.memory_space<hbm>>) dst(%arg5 : memref<8x3072xf32, #tpu.memory_space<vmem>>)
    %add3A_389 = arith.constant 52224 : i32
    %add3A_390 = arith.addi %multiple_of3A_35, %add3A_389 : i32
    %multiple_of3A_391 = tpu.assume_multiple %add3A_390, 128 : i32
    %dma_start3A_392 = tpu.memref_slice %arg3[%multiple_of3A, %multiple_of3A_391] : memref<64x1000000xf32, #tpu.memory_space<hbm>> -> memref<8x3072xf32, #tpu.memory_space<hbm>>
    %dma_start3A_393 = tpu.memref_slice %arg3[%multiple_of3A, %multiple_of3A_391] : memref<64x1000000xf32, #tpu.memory_space<hbm>> -> memref<8x3072xf32, #tpu.memory_space<hbm>>
    tpu.enqueue_dma source(%arg5 : memref<8x3072xf32, #tpu.memory_space<vmem>>) target(%dma_start3A_393 : memref<8x3072xf32, #tpu.memory_space<hbm>>) target_semaphore(%arg13 : memref<!tpu.dma_semaphore, #tpu.memory_space<semaphore_mem>>)
    %add3A_394 = arith.constant 49152 : i32
    %add3A_395 = arith.addi %multiple_of3A_35, %add3A_394 : i32
    %multiple_of3A_396 = tpu.assume_multiple %add3A_395, 128 : i32
    %dma_wait3A_397 = tpu.memref_slice %arg3[%multiple_of3A, %multiple_of3A_396] : memref<64x1000000xf32, #tpu.memory_space<hbm>> -> memref<8x3072xf32, #tpu.memory_space<hbm>>
    %dma_wait3A_398 = tpu.memref_slice %arg3[%multiple_of3A, %multiple_of3A_396] : memref<64x1000000xf32, #tpu.memory_space<hbm>> -> memref<8x3072xf32, #tpu.memory_space<hbm>>
    tpu.wait_dma2 semaphore(%arg12 : memref<!tpu.dma_semaphore, #tpu.memory_space<semaphore_mem>>) src(%arg4 : memref<8x3072xf32, #tpu.memory_space<vmem>>) dst(%dma_wait3A_398 : memref<8x3072xf32, #tpu.memory_space<hbm>>)
    %add3A_399 = arith.constant 61440 : i32
    %add3A_400 = arith.addi %multiple_of3A_35, %add3A_399 : i32
    %multiple_of3A_401 = tpu.assume_multiple %add3A_400, 128 : i32
    %dma_start3A_402 = tpu.memref_slice %arg2[%multiple_of3A, %multiple_of3A_401] : memref<64x1000000xf32, #tpu.memory_space<hbm>> -> memref<8x3072xf32, #tpu.memory_space<hbm>>
    %dma_start3A_403 = tpu.memref_slice %arg2[%multiple_of3A, %multiple_of3A_401] : memref<64x1000000xf32, #tpu.memory_space<hbm>> -> memref<8x3072xf32, #tpu.memory_space<hbm>>
    tpu.enqueue_dma source(%dma_start3A_403 : memref<8x3072xf32, #tpu.memory_space<hbm>>) target(%arg4 : memref<8x3072xf32, #tpu.memory_space<vmem>>) target_semaphore(%arg8 : memref<!tpu.dma_semaphore, #tpu.memory_space<semaphore_mem>>)
    %add3A_404 = arith.constant 55296 : i32
    %add3A_405 = arith.addi %multiple_of3A_35, %add3A_404 : i32
    %multiple_of3A_406 = tpu.assume_multiple %add3A_405, 128 : i32
    %dma_wait3A_407 = tpu.memref_slice %arg2[%multiple_of3A, %multiple_of3A_406] : memref<64x1000000xf32, #tpu.memory_space<hbm>> -> memref<8x3072xf32, #tpu.memory_space<hbm>>
    %dma_wait3A_408 = tpu.memref_slice %arg2[%multiple_of3A, %multiple_of3A_406] : memref<64x1000000xf32, #tpu.memory_space<hbm>> -> memref<8x3072xf32, #tpu.memory_space<hbm>>
    tpu.wait_dma2 semaphore(%arg10 : memref<!tpu.dma_semaphore, #tpu.memory_space<semaphore_mem>>) src(%dma_wait3A_408 : memref<8x3072xf32, #tpu.memory_space<hbm>>) dst(%arg6 : memref<8x3072xf32, #tpu.memory_space<vmem>>)
    %add3A_409 = arith.constant 55296 : i32
    %add3A_410 = arith.addi %multiple_of3A_35, %add3A_409 : i32
    %multiple_of3A_411 = tpu.assume_multiple %add3A_410, 128 : i32
    %dma_start3A_412 = tpu.memref_slice %arg3[%multiple_of3A, %multiple_of3A_411] : memref<64x1000000xf32, #tpu.memory_space<hbm>> -> memref<8x3072xf32, #tpu.memory_space<hbm>>
    %dma_start3A_413 = tpu.memref_slice %arg3[%multiple_of3A, %multiple_of3A_411] : memref<64x1000000xf32, #tpu.memory_space<hbm>> -> memref<8x3072xf32, #tpu.memory_space<hbm>>
    tpu.enqueue_dma source(%arg6 : memref<8x3072xf32, #tpu.memory_space<vmem>>) target(%dma_start3A_413 : memref<8x3072xf32, #tpu.memory_space<hbm>>) target_semaphore(%arg14 : memref<!tpu.dma_semaphore, #tpu.memory_space<semaphore_mem>>)
    %add3A_414 = arith.constant 52224 : i32
    %add3A_415 = arith.addi %multiple_of3A_35, %add3A_414 : i32
    %multiple_of3A_416 = tpu.assume_multiple %add3A_415, 128 : i32
    %dma_wait3A_417 = tpu.memref_slice %arg3[%multiple_of3A, %multiple_of3A_416] : memref<64x1000000xf32, #tpu.memory_space<hbm>> -> memref<8x3072xf32, #tpu.memory_space<hbm>>
    %dma_wait3A_418 = tpu.memref_slice %arg3[%multiple_of3A, %multiple_of3A_416] : memref<64x1000000xf32, #tpu.memory_space<hbm>> -> memref<8x3072xf32, #tpu.memory_space<hbm>>
    tpu.wait_dma2 semaphore(%arg13 : memref<!tpu.dma_semaphore, #tpu.memory_space<semaphore_mem>>) src(%arg5 : memref<8x3072xf32, #tpu.memory_space<vmem>>) dst(%dma_wait3A_418 : memref<8x3072xf32, #tpu.memory_space<hbm>>)
    %add3A_419 = arith.constant 64512 : i32
    %add3A_420 = arith.addi %multiple_of3A_35, %add3A_419 : i32
    %multiple_of3A_421 = tpu.assume_multiple %add3A_420, 128 : i32
    %dma_start3A_422 = tpu.memref_slice %arg2[%multiple_of3A, %multiple_of3A_421] : memref<64x1000000xf32, #tpu.memory_space<hbm>> -> memref<8x3072xf32, #tpu.memory_space<hbm>>
    %dma_start3A_423 = tpu.memref_slice %arg2[%multiple_of3A, %multiple_of3A_421] : memref<64x1000000xf32, #tpu.memory_space<hbm>> -> memref<8x3072xf32, #tpu.memory_space<hbm>>
    tpu.enqueue_dma source(%dma_start3A_423 : memref<8x3072xf32, #tpu.memory_space<hbm>>) target(%arg5 : memref<8x3072xf32, #tpu.memory_space<vmem>>) target_semaphore(%arg9 : memref<!tpu.dma_semaphore, #tpu.memory_space<semaphore_mem>>)
    %add3A_424 = arith.constant 58368 : i32
    %add3A_425 = arith.addi %multiple_of3A_35, %add3A_424 : i32
    %multiple_of3A_426 = tpu.assume_multiple %add3A_425, 128 : i32
    %dma_wait3A_427 = tpu.memref_slice %arg2[%multiple_of3A, %multiple_of3A_426] : memref<64x1000000xf32, #tpu.memory_space<hbm>> -> memref<8x3072xf32, #tpu.memory_space<hbm>>
    %dma_wait3A_428 = tpu.memref_slice %arg2[%multiple_of3A, %multiple_of3A_426] : memref<64x1000000xf32, #tpu.memory_space<hbm>> -> memref<8x3072xf32, #tpu.memory_space<hbm>>
    tpu.wait_dma2 semaphore(%arg11 : memref<!tpu.dma_semaphore, #tpu.memory_space<semaphore_mem>>) src(%dma_wait3A_428 : memref<8x3072xf32, #tpu.memory_space<hbm>>) dst(%arg7 : memref<8x3072xf32, #tpu.memory_space<vmem>>)
    %add3A_429 = arith.constant 58368 : i32
    %add3A_430 = arith.addi %multiple_of3A_35, %add3A_429 : i32
    %multiple_of3A_431 = tpu.assume_multiple %add3A_430, 128 : i32
    %dma_start3A_432 = tpu.memref_slice %arg3[%multiple_of3A, %multiple_of3A_431] : memref<64x1000000xf32, #tpu.memory_space<hbm>> -> memref<8x3072xf32, #tpu.memory_space<hbm>>
    %dma_start3A_433 = tpu.memref_slice %arg3[%multiple_of3A, %multiple_of3A_431] : memref<64x1000000xf32, #tpu.memory_space<hbm>> -> memref<8x3072xf32, #tpu.memory_space<hbm>>
    tpu.enqueue_dma source(%arg7 : memref<8x3072xf32, #tpu.memory_space<vmem>>) target(%dma_start3A_433 : memref<8x3072xf32, #tpu.memory_space<hbm>>) target_semaphore(%arg15 : memref<!tpu.dma_semaphore, #tpu.memory_space<semaphore_mem>>)
    %add3A_434 = arith.constant 55296 : i32
    %add3A_435 = arith.addi %multiple_of3A_35, %add3A_434 : i32
    %multiple_of3A_436 = tpu.assume_multiple %add3A_435, 128 : i32
    %dma_wait3A_437 = tpu.memref_slice %arg3[%multiple_of3A, %multiple_of3A_436] : memref<64x1000000xf32, #tpu.memory_space<hbm>> -> memref<8x3072xf32, #tpu.memory_space<hbm>>
    %dma_wait3A_438 = tpu.memref_slice %arg3[%multiple_of3A, %multiple_of3A_436] : memref<64x1000000xf32, #tpu.memory_space<hbm>> -> memref<8x3072xf32, #tpu.memory_space<hbm>>
    tpu.wait_dma2 semaphore(%arg14 : memref<!tpu.dma_semaphore, #tpu.memory_space<semaphore_mem>>) src(%arg6 : memref<8x3072xf32, #tpu.memory_space<vmem>>) dst(%dma_wait3A_438 : memref<8x3072xf32, #tpu.memory_space<hbm>>)
    %add3A_439 = arith.constant 67584 : i32
    %add3A_440 = arith.addi %multiple_of3A_35, %add3A_439 : i32
    %multiple_of3A_441 = tpu.assume_multiple %add3A_440, 128 : i32
    %dma_start3A_442 = tpu.memref_slice %arg2[%multiple_of3A, %multiple_of3A_441] : memref<64x1000000xf32, #tpu.memory_space<hbm>> -> memref<8x3072xf32, #tpu.memory_space<hbm>>
    %dma_start3A_443 = tpu.memref_slice %arg2[%multiple_of3A, %multiple_of3A_441] : memref<64x1000000xf32, #tpu.memory_space<hbm>> -> memref<8x3072xf32, #tpu.memory_space<hbm>>
    tpu.enqueue_dma source(%dma_start3A_443 : memref<8x3072xf32, #tpu.memory_space<hbm>>) target(%arg6 : memref<8x3072xf32, #tpu.memory_space<vmem>>) target_semaphore(%arg10 : memref<!tpu.dma_semaphore, #tpu.memory_space<semaphore_mem>>)
    %add3A_444 = arith.constant 61440 : i32
    %add3A_445 = arith.addi %multiple_of3A_35, %add3A_444 : i32
    %multiple_of3A_446 = tpu.assume_multiple %add3A_445, 128 : i32
    %dma_wait3A_447 = tpu.memref_slice %arg2[%multiple_of3A, %multiple_of3A_446] : memref<64x1000000xf32, #tpu.memory_space<hbm>> -> memref<8x3072xf32, #tpu.memory_space<hbm>>
    %dma_wait3A_448 = tpu.memref_slice %arg2[%multiple_of3A, %multiple_of3A_446] : memref<64x1000000xf32, #tpu.memory_space<hbm>> -> memref<8x3072xf32, #tpu.memory_space<hbm>>
    tpu.wait_dma2 semaphore(%arg8 : memref<!tpu.dma_semaphore, #tpu.memory_space<semaphore_mem>>) src(%dma_wait3A_448 : memref<8x3072xf32, #tpu.memory_space<hbm>>) dst(%arg4 : memref<8x3072xf32, #tpu.memory_space<vmem>>)
    %add3A_449 = arith.constant 61440 : i32
    %add3A_450 = arith.addi %multiple_of3A_35, %add3A_449 : i32
    %multiple_of3A_451 = tpu.assume_multiple %add3A_450, 128 : i32
    %dma_start3A_452 = tpu.memref_slice %arg3[%multiple_of3A, %multiple_of3A_451] : memref<64x1000000xf32, #tpu.memory_space<hbm>> -> memref<8x3072xf32, #tpu.memory_space<hbm>>
    %dma_start3A_453 = tpu.memref_slice %arg3[%multiple_of3A, %multiple_of3A_451] : memref<64x1000000xf32, #tpu.memory_space<hbm>> -> memref<8x3072xf32, #tpu.memory_space<hbm>>
    tpu.enqueue_dma source(%arg4 : memref<8x3072xf32, #tpu.memory_space<vmem>>) target(%dma_start3A_453 : memref<8x3072xf32, #tpu.memory_space<hbm>>) target_semaphore(%arg12 : memref<!tpu.dma_semaphore, #tpu.memory_space<semaphore_mem>>)
    %add3A_454 = arith.constant 58368 : i32
    %add3A_455 = arith.addi %multiple_of3A_35, %add3A_454 : i32
    %multiple_of3A_456 = tpu.assume_multiple %add3A_455, 128 : i32
    %dma_wait3A_457 = tpu.memref_slice %arg3[%multiple_of3A, %multiple_of3A_456] : memref<64x1000000xf32, #tpu.memory_space<hbm>> -> memref<8x3072xf32, #tpu.memory_space<hbm>>
    %dma_wait3A_458 = tpu.memref_slice %arg3[%multiple_of3A, %multiple_of3A_456] : memref<64x1000000xf32, #tpu.memory_space<hbm>> -> memref<8x3072xf32, #tpu.memory_space<hbm>>
    tpu.wait_dma2 semaphore(%arg15 : memref<!tpu.dma_semaphore, #tpu.memory_space<semaphore_mem>>) src(%arg7 : memref<8x3072xf32, #tpu.memory_space<vmem>>) dst(%dma_wait3A_458 : memref<8x3072xf32, #tpu.memory_space<hbm>>)
    %add3A_459 = arith.constant 70656 : i32
    %add3A_460 = arith.addi %multiple_of3A_35, %add3A_459 : i32
    %multiple_of3A_461 = tpu.assume_multiple %add3A_460, 128 : i32
    %dma_start3A_462 = tpu.memref_slice %arg2[%multiple_of3A, %multiple_of3A_461] : memref<64x1000000xf32, #tpu.memory_space<hbm>> -> memref<8x3072xf32, #tpu.memory_space<hbm>>
    %dma_start3A_463 = tpu.memref_slice %arg2[%multiple_of3A, %multiple_of3A_461] : memref<64x1000000xf32, #tpu.memory_space<hbm>> -> memref<8x3072xf32, #tpu.memory_space<hbm>>
    tpu.enqueue_dma source(%dma_start3A_463 : memref<8x3072xf32, #tpu.memory_space<hbm>>) target(%arg7 : memref<8x3072xf32, #tpu.memory_space<vmem>>) target_semaphore(%arg11 : memref<!tpu.dma_semaphore, #tpu.memory_space<semaphore_mem>>)
    %add3A_464 = arith.constant 64512 : i32
    %add3A_465 = arith.addi %multiple_of3A_35, %add3A_464 : i32
    %multiple_of3A_466 = tpu.assume_multiple %add3A_465, 128 : i32
    %dma_wait3A_467 = tpu.memref_slice %arg2[%multiple_of3A, %multiple_of3A_466] : memref<64x1000000xf32, #tpu.memory_space<hbm>> -> memref<8x3072xf32, #tpu.memory_space<hbm>>
    %dma_wait3A_468 = tpu.memref_slice %arg2[%multiple_of3A, %multiple_of3A_466] : memref<64x1000000xf32, #tpu.memory_space<hbm>> -> memref<8x3072xf32, #tpu.memory_space<hbm>>
    tpu.wait_dma2 semaphore(%arg9 : memref<!tpu.dma_semaphore, #tpu.memory_space<semaphore_mem>>) src(%dma_wait3A_468 : memref<8x3072xf32, #tpu.memory_space<hbm>>) dst(%arg5 : memref<8x3072xf32, #tpu.memory_space<vmem>>)
    %add3A_469 = arith.constant 64512 : i32
    %add3A_470 = arith.addi %multiple_of3A_35, %add3A_469 : i32
    %multiple_of3A_471 = tpu.assume_multiple %add3A_470, 128 : i32
    %dma_start3A_472 = tpu.memref_slice %arg3[%multiple_of3A, %multiple_of3A_471] : memref<64x1000000xf32, #tpu.memory_space<hbm>> -> memref<8x3072xf32, #tpu.memory_space<hbm>>
    %dma_start3A_473 = tpu.memref_slice %arg3[%multiple_of3A, %multiple_of3A_471] : memref<64x1000000xf32, #tpu.memory_space<hbm>> -> memref<8x3072xf32, #tpu.memory_space<hbm>>
    tpu.enqueue_dma source(%arg5 : memref<8x3072xf32, #tpu.memory_space<vmem>>) target(%dma_start3A_473 : memref<8x3072xf32, #tpu.memory_space<hbm>>) target_semaphore(%arg13 : memref<!tpu.dma_semaphore, #tpu.memory_space<semaphore_mem>>)
    %add3A_474 = arith.constant 61440 : i32
    %add3A_475 = arith.addi %multiple_of3A_35, %add3A_474 : i32
    %multiple_of3A_476 = tpu.assume_multiple %add3A_475, 128 : i32
    %dma_wait3A_477 = tpu.memref_slice %arg3[%multiple_of3A, %multiple_of3A_476] : memref<64x1000000xf32, #tpu.memory_space<hbm>> -> memref<8x3072xf32, #tpu.memory_space<hbm>>
    %dma_wait3A_478 = tpu.memref_slice %arg3[%multiple_of3A, %multiple_of3A_476] : memref<64x1000000xf32, #tpu.memory_space<hbm>> -> memref<8x3072xf32, #tpu.memory_space<hbm>>
    tpu.wait_dma2 semaphore(%arg12 : memref<!tpu.dma_semaphore, #tpu.memory_space<semaphore_mem>>) src(%arg4 : memref<8x3072xf32, #tpu.memory_space<vmem>>) dst(%dma_wait3A_478 : memref<8x3072xf32, #tpu.memory_space<hbm>>)
    %add3A_479 = arith.constant 73728 : i32
    %add3A_480 = arith.addi %multiple_of3A_35, %add3A_479 : i32
    %multiple_of3A_481 = tpu.assume_multiple %add3A_480, 128 : i32
    %dma_start3A_482 = tpu.memref_slice %arg2[%multiple_of3A, %multiple_of3A_481] : memref<64x1000000xf32, #tpu.memory_space<hbm>> -> memref<8x3072xf32, #tpu.memory_space<hbm>>
    %dma_start3A_483 = tpu.memref_slice %arg2[%multiple_of3A, %multiple_of3A_481] : memref<64x1000000xf32, #tpu.memory_space<hbm>> -> memref<8x3072xf32, #tpu.memory_space<hbm>>
    tpu.enqueue_dma source(%dma_start3A_483 : memref<8x3072xf32, #tpu.memory_space<hbm>>) target(%arg4 : memref<8x3072xf32, #tpu.memory_space<vmem>>) target_semaphore(%arg8 : memref<!tpu.dma_semaphore, #tpu.memory_space<semaphore_mem>>)
    %add3A_484 = arith.constant 67584 : i32
    %add3A_485 = arith.addi %multiple_of3A_35, %add3A_484 : i32
    %multiple_of3A_486 = tpu.assume_multiple %add3A_485, 128 : i32
    %dma_wait3A_487 = tpu.memref_slice %arg2[%multiple_of3A, %multiple_of3A_486] : memref<64x1000000xf32, #tpu.memory_space<hbm>> -> memref<8x3072xf32, #tpu.memory_space<hbm>>
    %dma_wait3A_488 = tpu.memref_slice %arg2[%multiple_of3A, %multiple_of3A_486] : memref<64x1000000xf32, #tpu.memory_space<hbm>> -> memref<8x3072xf32, #tpu.memory_space<hbm>>
    tpu.wait_dma2 semaphore(%arg10 : memref<!tpu.dma_semaphore, #tpu.memory_space<semaphore_mem>>) src(%dma_wait3A_488 : memref<8x3072xf32, #tpu.memory_space<hbm>>) dst(%arg6 : memref<8x3072xf32, #tpu.memory_space<vmem>>)
    %add3A_489 = arith.constant 67584 : i32
    %add3A_490 = arith.addi %multiple_of3A_35, %add3A_489 : i32
    %multiple_of3A_491 = tpu.assume_multiple %add3A_490, 128 : i32
    %dma_start3A_492 = tpu.memref_slice %arg3[%multiple_of3A, %multiple_of3A_491] : memref<64x1000000xf32, #tpu.memory_space<hbm>> -> memref<8x3072xf32, #tpu.memory_space<hbm>>
    %dma_start3A_493 = tpu.memref_slice %arg3[%multiple_of3A, %multiple_of3A_491] : memref<64x1000000xf32, #tpu.memory_space<hbm>> -> memref<8x3072xf32, #tpu.memory_space<hbm>>
    tpu.enqueue_dma source(%arg6 : memref<8x3072xf32, #tpu.memory_space<vmem>>) target(%dma_start3A_493 : memref<8x3072xf32, #tpu.memory_space<hbm>>) target_semaphore(%arg14 : memref<!tpu.dma_semaphore, #tpu.memory_space<semaphore_mem>>)
    %add3A_494 = arith.constant 64512 : i32
    %add3A_495 = arith.addi %multiple_of3A_35, %add3A_494 : i32
    %multiple_of3A_496 = tpu.assume_multiple %add3A_495, 128 : i32
    %dma_wait3A_497 = tpu.memref_slice %arg3[%multiple_of3A, %multiple_of3A_496] : memref<64x1000000xf32, #tpu.memory_space<hbm>> -> memref<8x3072xf32, #tpu.memory_space<hbm>>
    %dma_wait3A_498 = tpu.memref_slice %arg3[%multiple_of3A, %multiple_of3A_496] : memref<64x1000000xf32, #tpu.memory_space<hbm>> -> memref<8x3072xf32, #tpu.memory_space<hbm>>
    tpu.wait_dma2 semaphore(%arg13 : memref<!tpu.dma_semaphore, #tpu.memory_space<semaphore_mem>>) src(%arg5 : memref<8x3072xf32, #tpu.memory_space<vmem>>) dst(%dma_wait3A_498 : memref<8x3072xf32, #tpu.memory_space<hbm>>)
    %add3A_499 = arith.constant 76800 : i32
    %add3A_500 = arith.addi %multiple_of3A_35, %add3A_499 : i32
    %multiple_of3A_501 = tpu.assume_multiple %add3A_500, 128 : i32
    %dma_start3A_502 = tpu.memref_slice %arg2[%multiple_of3A, %multiple_of3A_501] : memref<64x1000000xf32, #tpu.memory_space<hbm>> -> memref<8x3072xf32, #tpu.memory_space<hbm>>
    %dma_start3A_503 = tpu.memref_slice %arg2[%multiple_of3A, %multiple_of3A_501] : memref<64x1000000xf32, #tpu.memory_space<hbm>> -> memref<8x3072xf32, #tpu.memory_space<hbm>>
    tpu.enqueue_dma source(%dma_start3A_503 : memref<8x3072xf32, #tpu.memory_space<hbm>>) target(%arg5 : memref<8x3072xf32, #tpu.memory_space<vmem>>) target_semaphore(%arg9 : memref<!tpu.dma_semaphore, #tpu.memory_space<semaphore_mem>>)
    %add3A_504 = arith.constant 70656 : i32
    %add3A_505 = arith.addi %multiple_of3A_35, %add3A_504 : i32
    %multiple_of3A_506 = tpu.assume_multiple %add3A_505, 128 : i32
    %dma_wait3A_507 = tpu.memref_slice %arg2[%multiple_of3A, %multiple_of3A_506] : memref<64x1000000xf32, #tpu.memory_space<hbm>> -> memref<8x3072xf32, #tpu.memory_space<hbm>>
    %dma_wait3A_508 = tpu.memref_slice %arg2[%multiple_of3A, %multiple_of3A_506] : memref<64x1000000xf32, #tpu.memory_space<hbm>> -> memref<8x3072xf32, #tpu.memory_space<hbm>>
    tpu.wait_dma2 semaphore(%arg11 : memref<!tpu.dma_semaphore, #tpu.memory_space<semaphore_mem>>) src(%dma_wait3A_508 : memref<8x3072xf32, #tpu.memory_space<hbm>>) dst(%arg7 : memref<8x3072xf32, #tpu.memory_space<vmem>>)
    %add3A_509 = arith.constant 70656 : i32
    %add3A_510 = arith.addi %multiple_of3A_35, %add3A_509 : i32
    %multiple_of3A_511 = tpu.assume_multiple %add3A_510, 128 : i32
    %dma_start3A_512 = tpu.memref_slice %arg3[%multiple_of3A, %multiple_of3A_511] : memref<64x1000000xf32, #tpu.memory_space<hbm>> -> memref<8x3072xf32, #tpu.memory_space<hbm>>
    %dma_start3A_513 = tpu.memref_slice %arg3[%multiple_of3A, %multiple_of3A_511] : memref<64x1000000xf32, #tpu.memory_space<hbm>> -> memref<8x3072xf32, #tpu.memory_space<hbm>>
    tpu.enqueue_dma source(%arg7 : memref<8x3072xf32, #tpu.memory_space<vmem>>) target(%dma_start3A_513 : memref<8x3072xf32, #tpu.memory_space<hbm>>) target_semaphore(%arg15 : memref<!tpu.dma_semaphore, #tpu.memory_space<semaphore_mem>>)
    %add3A_514 = arith.constant 67584 : i32
    %add3A_515 = arith.addi %multiple_of3A_35, %add3A_514 : i32
    %multiple_of3A_516 = tpu.assume_multiple %add3A_515, 128 : i32
    %dma_wait3A_517 = tpu.memref_slice %arg3[%multiple_of3A, %multiple_of3A_516] : memref<64x1000000xf32, #tpu.memory_space<hbm>> -> memref<8x3072xf32, #tpu.memory_space<hbm>>
    %dma_wait3A_518 = tpu.memref_slice %arg3[%multiple_of3A, %multiple_of3A_516] : memref<64x1000000xf32, #tpu.memory_space<hbm>> -> memref<8x3072xf32, #tpu.memory_space<hbm>>
    tpu.wait_dma2 semaphore(%arg14 : memref<!tpu.dma_semaphore, #tpu.memory_space<semaphore_mem>>) src(%arg6 : memref<8x3072xf32, #tpu.memory_space<vmem>>) dst(%dma_wait3A_518 : memref<8x3072xf32, #tpu.memory_space<hbm>>)
    %add3A_519 = arith.constant 79872 : i32
    %add3A_520 = arith.addi %multiple_of3A_35, %add3A_519 : i32
    %multiple_of3A_521 = tpu.assume_multiple %add3A_520, 128 : i32
    %dma_start3A_522 = tpu.memref_slice %arg2[%multiple_of3A, %multiple_of3A_521] : memref<64x1000000xf32, #tpu.memory_space<hbm>> -> memref<8x3072xf32, #tpu.memory_space<hbm>>
    %dma_start3A_523 = tpu.memref_slice %arg2[%multiple_of3A, %multiple_of3A_521] : memref<64x1000000xf32, #tpu.memory_space<hbm>> -> memref<8x3072xf32, #tpu.memory_space<hbm>>
    tpu.enqueue_dma source(%dma_start3A_523 : memref<8x3072xf32, #tpu.memory_space<hbm>>) target(%arg6 : memref<8x3072xf32, #tpu.memory_space<vmem>>) target_semaphore(%arg10 : memref<!tpu.dma_semaphore, #tpu.memory_space<semaphore_mem>>)
    %add3A_524 = arith.constant 73728 : i32
    %add3A_525 = arith.addi %multiple_of3A_35, %add3A_524 : i32
    %multiple_of3A_526 = tpu.assume_multiple %add3A_525, 128 : i32
    %dma_wait3A_527 = tpu.memref_slice %arg2[%multiple_of3A, %multiple_of3A_526] : memref<64x1000000xf32, #tpu.memory_space<hbm>> -> memref<8x3072xf32, #tpu.memory_space<hbm>>
    %dma_wait3A_528 = tpu.memref_slice %arg2[%multiple_of3A, %multiple_of3A_526] : memref<64x1000000xf32, #tpu.memory_space<hbm>> -> memref<8x3072xf32, #tpu.memory_space<hbm>>
    tpu.wait_dma2 semaphore(%arg8 : memref<!tpu.dma_semaphore, #tpu.memory_space<semaphore_mem>>) src(%dma_wait3A_528 : memref<8x3072xf32, #tpu.memory_space<hbm>>) dst(%arg4 : memref<8x3072xf32, #tpu.memory_space<vmem>>)
    %add3A_529 = arith.constant 73728 : i32
    %add3A_530 = arith.addi %multiple_of3A_35, %add3A_529 : i32
    %multiple_of3A_531 = tpu.assume_multiple %add3A_530, 128 : i32
    %dma_start3A_532 = tpu.memref_slice %arg3[%multiple_of3A, %multiple_of3A_531] : memref<64x1000000xf32, #tpu.memory_space<hbm>> -> memref<8x3072xf32, #tpu.memory_space<hbm>>
    %dma_start3A_533 = tpu.memref_slice %arg3[%multiple_of3A, %multiple_of3A_531] : memref<64x1000000xf32, #tpu.memory_space<hbm>> -> memref<8x3072xf32, #tpu.memory_space<hbm>>
    tpu.enqueue_dma source(%arg4 : memref<8x3072xf32, #tpu.memory_space<vmem>>) target(%dma_start3A_533 : memref<8x3072xf32, #tpu.memory_space<hbm>>) target_semaphore(%arg12 : memref<!tpu.dma_semaphore, #tpu.memory_space<semaphore_mem>>)
    %add3A_534 = arith.constant 70656 : i32
    %add3A_535 = arith.addi %multiple_of3A_35, %add3A_534 : i32
    %multiple_of3A_536 = tpu.assume_multiple %add3A_535, 128 : i32
    %dma_wait3A_537 = tpu.memref_slice %arg3[%multiple_of3A, %multiple_of3A_536] : memref<64x1000000xf32, #tpu.memory_space<hbm>> -> memref<8x3072xf32, #tpu.memory_space<hbm>>
    %dma_wait3A_538 = tpu.memref_slice %arg3[%multiple_of3A, %multiple_of3A_536] : memref<64x1000000xf32, #tpu.memory_space<hbm>> -> memref<8x3072xf32, #tpu.memory_space<hbm>>
    tpu.wait_dma2 semaphore(%arg15 : memref<!tpu.dma_semaphore, #tpu.memory_space<semaphore_mem>>) src(%arg7 : memref<8x3072xf32, #tpu.memory_space<vmem>>) dst(%dma_wait3A_538 : memref<8x3072xf32, #tpu.memory_space<hbm>>)
    %add3A_539 = arith.constant 82944 : i32
    %add3A_540 = arith.addi %multiple_of3A_35, %add3A_539 : i32
    %multiple_of3A_541 = tpu.assume_multiple %add3A_540, 128 : i32
    %dma_start3A_542 = tpu.memref_slice %arg2[%multiple_of3A, %multiple_of3A_541] : memref<64x1000000xf32, #tpu.memory_space<hbm>> -> memref<8x3072xf32, #tpu.memory_space<hbm>>
    %dma_start3A_543 = tpu.memref_slice %arg2[%multiple_of3A, %multiple_of3A_541] : memref<64x1000000xf32, #tpu.memory_space<hbm>> -> memref<8x3072xf32, #tpu.memory_space<hbm>>
    tpu.enqueue_dma source(%dma_start3A_543 : memref<8x3072xf32, #tpu.memory_space<hbm>>) target(%arg7 : memref<8x3072xf32, #tpu.memory_space<vmem>>) target_semaphore(%arg11 : memref<!tpu.dma_semaphore, #tpu.memory_space<semaphore_mem>>)
    %add3A_544 = arith.constant 76800 : i32
    %add3A_545 = arith.addi %multiple_of3A_35, %add3A_544 : i32
    %multiple_of3A_546 = tpu.assume_multiple %add3A_545, 128 : i32
    %dma_wait3A_547 = tpu.memref_slice %arg2[%multiple_of3A, %multiple_of3A_546] : memref<64x1000000xf32, #tpu.memory_space<hbm>> -> memref<8x3072xf32, #tpu.memory_space<hbm>>
    %dma_wait3A_548 = tpu.memref_slice %arg2[%multiple_of3A, %multiple_of3A_546] : memref<64x1000000xf32, #tpu.memory_space<hbm>> -> memref<8x3072xf32, #tpu.memory_space<hbm>>
    tpu.wait_dma2 semaphore(%arg9 : memref<!tpu.dma_semaphore, #tpu.memory_space<semaphore_mem>>) src(%dma_wait3A_548 : memref<8x3072xf32, #tpu.memory_space<hbm>>) dst(%arg5 : memref<8x3072xf32, #tpu.memory_space<vmem>>)
    %add3A_549 = arith.constant 76800 : i32
    %add3A_550 = arith.addi %multiple_of3A_35, %add3A_549 : i32
    %multiple_of3A_551 = tpu.assume_multiple %add3A_550, 128 : i32
    %dma_start3A_552 = tpu.memref_slice %arg3[%multiple_of3A, %multiple_of3A_551] : memref<64x1000000xf32, #tpu.memory_space<hbm>> -> memref<8x3072xf32, #tpu.memory_space<hbm>>
    %dma_start3A_553 = tpu.memref_slice %arg3[%multiple_of3A, %multiple_of3A_551] : memref<64x1000000xf32, #tpu.memory_space<hbm>> -> memref<8x3072xf32, #tpu.memory_space<hbm>>
    tpu.enqueue_dma source(%arg5 : memref<8x3072xf32, #tpu.memory_space<vmem>>) target(%dma_start3A_553 : memref<8x3072xf32, #tpu.memory_space<hbm>>) target_semaphore(%arg13 : memref<!tpu.dma_semaphore, #tpu.memory_space<semaphore_mem>>)
    %add3A_554 = arith.constant 73728 : i32
    %add3A_555 = arith.addi %multiple_of3A_35, %add3A_554 : i32
    %multiple_of3A_556 = tpu.assume_multiple %add3A_555, 128 : i32
    %dma_wait3A_557 = tpu.memref_slice %arg3[%multiple_of3A, %multiple_of3A_556] : memref<64x1000000xf32, #tpu.memory_space<hbm>> -> memref<8x3072xf32, #tpu.memory_space<hbm>>
    %dma_wait3A_558 = tpu.memref_slice %arg3[%multiple_of3A, %multiple_of3A_556] : memref<64x1000000xf32, #tpu.memory_space<hbm>> -> memref<8x3072xf32, #tpu.memory_space<hbm>>
    tpu.wait_dma2 semaphore(%arg12 : memref<!tpu.dma_semaphore, #tpu.memory_space<semaphore_mem>>) src(%arg4 : memref<8x3072xf32, #tpu.memory_space<vmem>>) dst(%dma_wait3A_558 : memref<8x3072xf32, #tpu.memory_space<hbm>>)
    %add3A_559 = arith.constant 86016 : i32
    %add3A_560 = arith.addi %multiple_of3A_35, %add3A_559 : i32
    %multiple_of3A_561 = tpu.assume_multiple %add3A_560, 128 : i32
    %dma_start3A_562 = tpu.memref_slice %arg2[%multiple_of3A, %multiple_of3A_561] : memref<64x1000000xf32, #tpu.memory_space<hbm>> -> memref<8x3072xf32, #tpu.memory_space<hbm>>
    %dma_start3A_563 = tpu.memref_slice %arg2[%multiple_of3A, %multiple_of3A_561] : memref<64x1000000xf32, #tpu.memory_space<hbm>> -> memref<8x3072xf32, #tpu.memory_space<hbm>>
    tpu.enqueue_dma source(%dma_start3A_563 : memref<8x3072xf32, #tpu.memory_space<hbm>>) target(%arg4 : memref<8x3072xf32, #tpu.memory_space<vmem>>) target_semaphore(%arg8 : memref<!tpu.dma_semaphore, #tpu.memory_space<semaphore_mem>>)
    %add3A_564 = arith.constant 79872 : i32
    %add3A_565 = arith.addi %multiple_of3A_35, %add3A_564 : i32
    %multiple_of3A_566 = tpu.assume_multiple %add3A_565, 128 : i32
    %dma_wait3A_567 = tpu.memref_slice %arg2[%multiple_of3A, %multiple_of3A_566] : memref<64x1000000xf32, #tpu.memory_space<hbm>> -> memref<8x3072xf32, #tpu.memory_space<hbm>>
    %dma_wait3A_568 = tpu.memref_slice %arg2[%multiple_of3A, %multiple_of3A_566] : memref<64x1000000xf32, #tpu.memory_space<hbm>> -> memref<8x3072xf32, #tpu.memory_space<hbm>>
    tpu.wait_dma2 semaphore(%arg10 : memref<!tpu.dma_semaphore, #tpu.memory_space<semaphore_mem>>) src(%dma_wait3A_568 : memref<8x3072xf32, #tpu.memory_space<hbm>>) dst(%arg6 : memref<8x3072xf32, #tpu.memory_space<vmem>>)
    %add3A_569 = arith.constant 79872 : i32
    %add3A_570 = arith.addi %multiple_of3A_35, %add3A_569 : i32
    %multiple_of3A_571 = tpu.assume_multiple %add3A_570, 128 : i32
    %dma_start3A_572 = tpu.memref_slice %arg3[%multiple_of3A, %multiple_of3A_571] : memref<64x1000000xf32, #tpu.memory_space<hbm>> -> memref<8x3072xf32, #tpu.memory_space<hbm>>
    %dma_start3A_573 = tpu.memref_slice %arg3[%multiple_of3A, %multiple_of3A_571] : memref<64x1000000xf32, #tpu.memory_space<hbm>> -> memref<8x3072xf32, #tpu.memory_space<hbm>>
    tpu.enqueue_dma source(%arg6 : memref<8x3072xf32, #tpu.memory_space<vmem>>) target(%dma_start3A_573 : memref<8x3072xf32, #tpu.memory_space<hbm>>) target_semaphore(%arg14 : memref<!tpu.dma_semaphore, #tpu.memory_space<semaphore_mem>>)
    %add3A_574 = arith.constant 76800 : i32
    %add3A_575 = arith.addi %multiple_of3A_35, %add3A_574 : i32
    %multiple_of3A_576 = tpu.assume_multiple %add3A_575, 128 : i32
    %dma_wait3A_577 = tpu.memref_slice %arg3[%multiple_of3A, %multiple_of3A_576] : memref<64x1000000xf32, #tpu.memory_space<hbm>> -> memref<8x3072xf32, #tpu.memory_space<hbm>>
    %dma_wait3A_578 = tpu.memref_slice %arg3[%multiple_of3A, %multiple_of3A_576] : memref<64x1000000xf32, #tpu.memory_space<hbm>> -> memref<8x3072xf32, #tpu.memory_space<hbm>>
    tpu.wait_dma2 semaphore(%arg13 : memref<!tpu.dma_semaphore, #tpu.memory_space<semaphore_mem>>) src(%arg5 : memref<8x3072xf32, #tpu.memory_space<vmem>>) dst(%dma_wait3A_578 : memref<8x3072xf32, #tpu.memory_space<hbm>>)
    %add3A_579 = arith.constant 89088 : i32
    %add3A_580 = arith.addi %multiple_of3A_35, %add3A_579 : i32
    %multiple_of3A_581 = tpu.assume_multiple %add3A_580, 128 : i32
    %dma_start3A_582 = tpu.memref_slice %arg2[%multiple_of3A, %multiple_of3A_581] : memref<64x1000000xf32, #tpu.memory_space<hbm>> -> memref<8x3072xf32, #tpu.memory_space<hbm>>
    %dma_start3A_583 = tpu.memref_slice %arg2[%multiple_of3A, %multiple_of3A_581] : memref<64x1000000xf32, #tpu.memory_space<hbm>> -> memref<8x3072xf32, #tpu.memory_space<hbm>>
    tpu.enqueue_dma source(%dma_start3A_583 : memref<8x3072xf32, #tpu.memory_space<hbm>>) target(%arg5 : memref<8x3072xf32, #tpu.memory_space<vmem>>) target_semaphore(%arg9 : memref<!tpu.dma_semaphore, #tpu.memory_space<semaphore_mem>>)
    %add3A_584 = arith.constant 82944 : i32
    %add3A_585 = arith.addi %multiple_of3A_35, %add3A_584 : i32
    %multiple_of3A_586 = tpu.assume_multiple %add3A_585, 128 : i32
    %dma_wait3A_587 = tpu.memref_slice %arg2[%multiple_of3A, %multiple_of3A_586] : memref<64x1000000xf32, #tpu.memory_space<hbm>> -> memref<8x3072xf32, #tpu.memory_space<hbm>>
    %dma_wait3A_588 = tpu.memref_slice %arg2[%multiple_of3A, %multiple_of3A_586] : memref<64x1000000xf32, #tpu.memory_space<hbm>> -> memref<8x3072xf32, #tpu.memory_space<hbm>>
    tpu.wait_dma2 semaphore(%arg11 : memref<!tpu.dma_semaphore, #tpu.memory_space<semaphore_mem>>) src(%dma_wait3A_588 : memref<8x3072xf32, #tpu.memory_space<hbm>>) dst(%arg7 : memref<8x3072xf32, #tpu.memory_space<vmem>>)
    %add3A_589 = arith.constant 82944 : i32
    %add3A_590 = arith.addi %multiple_of3A_35, %add3A_589 : i32
    %multiple_of3A_591 = tpu.assume_multiple %add3A_590, 128 : i32
    %dma_start3A_592 = tpu.memref_slice %arg3[%multiple_of3A, %multiple_of3A_591] : memref<64x1000000xf32, #tpu.memory_space<hbm>> -> memref<8x3072xf32, #tpu.memory_space<hbm>>
    %dma_start3A_593 = tpu.memref_slice %arg3[%multiple_of3A, %multiple_of3A_591] : memref<64x1000000xf32, #tpu.memory_space<hbm>> -> memref<8x3072xf32, #tpu.memory_space<hbm>>
    tpu.enqueue_dma source(%arg7 : memref<8x3072xf32, #tpu.memory_space<vmem>>) target(%dma_start3A_593 : memref<8x3072xf32, #tpu.memory_space<hbm>>) target_semaphore(%arg15 : memref<!tpu.dma_semaphore, #tpu.memory_space<semaphore_mem>>)
    %add3A_594 = arith.constant 79872 : i32
    %add3A_595 = arith.addi %multiple_of3A_35, %add3A_594 : i32
    %multiple_of3A_596 = tpu.assume_multiple %add3A_595, 128 : i32
    %dma_wait3A_597 = tpu.memref_slice %arg3[%multiple_of3A, %multiple_of3A_596] : memref<64x1000000xf32, #tpu.memory_space<hbm>> -> memref<8x3072xf32, #tpu.memory_space<hbm>>
    %dma_wait3A_598 = tpu.memref_slice %arg3[%multiple_of3A, %multiple_of3A_596] : memref<64x1000000xf32, #tpu.memory_space<hbm>> -> memref<8x3072xf32, #tpu.memory_space<hbm>>
    tpu.wait_dma2 semaphore(%arg14 : memref<!tpu.dma_semaphore, #tpu.memory_space<semaphore_mem>>) src(%arg6 : memref<8x3072xf32, #tpu.memory_space<vmem>>) dst(%dma_wait3A_598 : memref<8x3072xf32, #tpu.memory_space<hbm>>)
    %add3A_599 = arith.constant 92160 : i32
    %add3A_600 = arith.addi %multiple_of3A_35, %add3A_599 : i32
    %multiple_of3A_601 = tpu.assume_multiple %add3A_600, 128 : i32
    %dma_start3A_602 = tpu.memref_slice %arg2[%multiple_of3A, %multiple_of3A_601] : memref<64x1000000xf32, #tpu.memory_space<hbm>> -> memref<8x3072xf32, #tpu.memory_space<hbm>>
    %dma_start3A_603 = tpu.memref_slice %arg2[%multiple_of3A, %multiple_of3A_601] : memref<64x1000000xf32, #tpu.memory_space<hbm>> -> memref<8x3072xf32, #tpu.memory_space<hbm>>
    tpu.enqueue_dma source(%dma_start3A_603 : memref<8x3072xf32, #tpu.memory_space<hbm>>) target(%arg6 : memref<8x3072xf32, #tpu.memory_space<vmem>>) target_semaphore(%arg10 : memref<!tpu.dma_semaphore, #tpu.memory_space<semaphore_mem>>)
    %add3A_604 = arith.constant 86016 : i32
    %add3A_605 = arith.addi %multiple_of3A_35, %add3A_604 : i32
    %multiple_of3A_606 = tpu.assume_multiple %add3A_605, 128 : i32
    %dma_wait3A_607 = tpu.memref_slice %arg2[%multiple_of3A, %multiple_of3A_606] : memref<64x1000000xf32, #tpu.memory_space<hbm>> -> memref<8x3072xf32, #tpu.memory_space<hbm>>
    %dma_wait3A_608 = tpu.memref_slice %arg2[%multiple_of3A, %multiple_of3A_606] : memref<64x1000000xf32, #tpu.memory_space<hbm>> -> memref<8x3072xf32, #tpu.memory_space<hbm>>
    tpu.wait_dma2 semaphore(%arg8 : memref<!tpu.dma_semaphore, #tpu.memory_space<semaphore_mem>>) src(%dma_wait3A_608 : memref<8x3072xf32, #tpu.memory_space<hbm>>) dst(%arg4 : memref<8x3072xf32, #tpu.memory_space<vmem>>)
    %add3A_609 = arith.constant 86016 : i32
    %add3A_610 = arith.addi %multiple_of3A_35, %add3A_609 : i32
    %multiple_of3A_611 = tpu.assume_multiple %add3A_610, 128 : i32
    %dma_start3A_612 = tpu.memref_slice %arg3[%multiple_of3A, %multiple_of3A_611] : memref<64x1000000xf32, #tpu.memory_space<hbm>> -> memref<8x3072xf32, #tpu.memory_space<hbm>>
    %dma_start3A_613 = tpu.memref_slice %arg3[%multiple_of3A, %multiple_of3A_611] : memref<64x1000000xf32, #tpu.memory_space<hbm>> -> memref<8x3072xf32, #tpu.memory_space<hbm>>
    tpu.enqueue_dma source(%arg4 : memref<8x3072xf32, #tpu.memory_space<vmem>>) target(%dma_start3A_613 : memref<8x3072xf32, #tpu.memory_space<hbm>>) target_semaphore(%arg12 : memref<!tpu.dma_semaphore, #tpu.memory_space<semaphore_mem>>)
    %add3A_614 = arith.constant 82944 : i32
    %add3A_615 = arith.addi %multiple_of3A_35, %add3A_614 : i32
    %multiple_of3A_616 = tpu.assume_multiple %add3A_615, 128 : i32
    %dma_wait3A_617 = tpu.memref_slice %arg3[%multiple_of3A, %multiple_of3A_616] : memref<64x1000000xf32, #tpu.memory_space<hbm>> -> memref<8x3072xf32, #tpu.memory_space<hbm>>
    %dma_wait3A_618 = tpu.memref_slice %arg3[%multiple_of3A, %multiple_of3A_616] : memref<64x1000000xf32, #tpu.memory_space<hbm>> -> memref<8x3072xf32, #tpu.memory_space<hbm>>
    tpu.wait_dma2 semaphore(%arg15 : memref<!tpu.dma_semaphore, #tpu.memory_space<semaphore_mem>>) src(%arg7 : memref<8x3072xf32, #tpu.memory_space<vmem>>) dst(%dma_wait3A_618 : memref<8x3072xf32, #tpu.memory_space<hbm>>)
    %add3A_619 = arith.constant 95232 : i32
    %add3A_620 = arith.addi %multiple_of3A_35, %add3A_619 : i32
    %multiple_of3A_621 = tpu.assume_multiple %add3A_620, 128 : i32
    %dma_start3A_622 = tpu.memref_slice %arg2[%multiple_of3A, %multiple_of3A_621] : memref<64x1000000xf32, #tpu.memory_space<hbm>> -> memref<8x3072xf32, #tpu.memory_space<hbm>>
    %dma_start3A_623 = tpu.memref_slice %arg2[%multiple_of3A, %multiple_of3A_621] : memref<64x1000000xf32, #tpu.memory_space<hbm>> -> memref<8x3072xf32, #tpu.memory_space<hbm>>
    tpu.enqueue_dma source(%dma_start3A_623 : memref<8x3072xf32, #tpu.memory_space<hbm>>) target(%arg7 : memref<8x3072xf32, #tpu.memory_space<vmem>>) target_semaphore(%arg11 : memref<!tpu.dma_semaphore, #tpu.memory_space<semaphore_mem>>)
    %add3A_624 = arith.constant 89088 : i32
    %add3A_625 = arith.addi %multiple_of3A_35, %add3A_624 : i32
    %multiple_of3A_626 = tpu.assume_multiple %add3A_625, 128 : i32
    %dma_wait3A_627 = tpu.memref_slice %arg2[%multiple_of3A, %multiple_of3A_626] : memref<64x1000000xf32, #tpu.memory_space<hbm>> -> memref<8x3072xf32, #tpu.memory_space<hbm>>
    %dma_wait3A_628 = tpu.memref_slice %arg2[%multiple_of3A, %multiple_of3A_626] : memref<64x1000000xf32, #tpu.memory_space<hbm>> -> memref<8x3072xf32, #tpu.memory_space<hbm>>
    tpu.wait_dma2 semaphore(%arg9 : memref<!tpu.dma_semaphore, #tpu.memory_space<semaphore_mem>>) src(%dma_wait3A_628 : memref<8x3072xf32, #tpu.memory_space<hbm>>) dst(%arg5 : memref<8x3072xf32, #tpu.memory_space<vmem>>)
    %add3A_629 = arith.constant 89088 : i32
    %add3A_630 = arith.addi %multiple_of3A_35, %add3A_629 : i32
    %multiple_of3A_631 = tpu.assume_multiple %add3A_630, 128 : i32
    %dma_start3A_632 = tpu.memref_slice %arg3[%multiple_of3A, %multiple_of3A_631] : memref<64x1000000xf32, #tpu.memory_space<hbm>> -> memref<8x3072xf32, #tpu.memory_space<hbm>>
    %dma_start3A_633 = tpu.memref_slice %arg3[%multiple_of3A, %multiple_of3A_631] : memref<64x1000000xf32, #tpu.memory_space<hbm>> -> memref<8x3072xf32, #tpu.memory_space<hbm>>
    tpu.enqueue_dma source(%arg5 : memref<8x3072xf32, #tpu.memory_space<vmem>>) target(%dma_start3A_633 : memref<8x3072xf32, #tpu.memory_space<hbm>>) target_semaphore(%arg13 : memref<!tpu.dma_semaphore, #tpu.memory_space<semaphore_mem>>)
    %add3A_634 = arith.constant 92160 : i32
    %add3A_635 = arith.addi %multiple_of3A_35, %add3A_634 : i32
    %multiple_of3A_636 = tpu.assume_multiple %add3A_635, 128 : i32
    %dma_wait3A_637 = tpu.memref_slice %arg2[%multiple_of3A, %multiple_of3A_636] : memref<64x1000000xf32, #tpu.memory_space<hbm>> -> memref<8x3072xf32, #tpu.memory_space<hbm>>
    %dma_wait3A_638 = tpu.memref_slice %arg2[%multiple_of3A, %multiple_of3A_636] : memref<64x1000000xf32, #tpu.memory_space<hbm>> -> memref<8x3072xf32, #tpu.memory_space<hbm>>
    tpu.wait_dma2 semaphore(%arg10 : memref<!tpu.dma_semaphore, #tpu.memory_space<semaphore_mem>>) src(%dma_wait3A_638 : memref<8x3072xf32, #tpu.memory_space<hbm>>) dst(%arg6 : memref<8x3072xf32, #tpu.memory_space<vmem>>)
    %add3A_639 = arith.constant 92160 : i32
    %add3A_640 = arith.addi %multiple_of3A_35, %add3A_639 : i32
    %multiple_of3A_641 = tpu.assume_multiple %add3A_640, 128 : i32
    %dma_start3A_642 = tpu.memref_slice %arg3[%multiple_of3A, %multiple_of3A_641] : memref<64x1000000xf32, #tpu.memory_space<hbm>> -> memref<8x3072xf32, #tpu.memory_space<hbm>>
    %dma_start3A_643 = tpu.memref_slice %arg3[%multiple_of3A, %multiple_of3A_641] : memref<64x1000000xf32, #tpu.memory_space<hbm>> -> memref<8x3072xf32, #tpu.memory_space<hbm>>
    tpu.enqueue_dma source(%arg6 : memref<8x3072xf32, #tpu.memory_space<vmem>>) target(%dma_start3A_643 : memref<8x3072xf32, #tpu.memory_space<hbm>>) target_semaphore(%arg14 : memref<!tpu.dma_semaphore, #tpu.memory_space<semaphore_mem>>)
    %add3A_644 = arith.constant 95232 : i32
    %add3A_645 = arith.addi %multiple_of3A_35, %add3A_644 : i32
    %multiple_of3A_646 = tpu.assume_multiple %add3A_645, 128 : i32
    %dma_wait3A_647 = tpu.memref_slice %arg2[%multiple_of3A, %multiple_of3A_646] : memref<64x1000000xf32, #tpu.memory_space<hbm>> -> memref<8x3072xf32, #tpu.memory_space<hbm>>
    %dma_wait3A_648 = tpu.memref_slice %arg2[%multiple_of3A, %multiple_of3A_646] : memref<64x1000000xf32, #tpu.memory_space<hbm>> -> memref<8x3072xf32, #tpu.memory_space<hbm>>
    tpu.wait_dma2 semaphore(%arg11 : memref<!tpu.dma_semaphore, #tpu.memory_space<semaphore_mem>>) src(%dma_wait3A_648 : memref<8x3072xf32, #tpu.memory_space<hbm>>) dst(%arg7 : memref<8x3072xf32, #tpu.memory_space<vmem>>)
    %add3A_649 = arith.constant 95232 : i32
    %add3A_650 = arith.addi %multiple_of3A_35, %add3A_649 : i32
    %multiple_of3A_651 = tpu.assume_multiple %add3A_650, 128 : i32
    %dma_start3A_652 = tpu.memref_slice %arg3[%multiple_of3A, %multiple_of3A_651] : memref<64x1000000xf32, #tpu.memory_space<hbm>> -> memref<8x3072xf32, #tpu.memory_space<hbm>>
    %dma_start3A_653 = tpu.memref_slice %arg3[%multiple_of3A, %multiple_of3A_651] : memref<64x1000000xf32, #tpu.memory_space<hbm>> -> memref<8x3072xf32, #tpu.memory_space<hbm>>
    tpu.enqueue_dma source(%arg7 : memref<8x3072xf32, #tpu.memory_space<vmem>>) target(%dma_start3A_653 : memref<8x3072xf32, #tpu.memory_space<hbm>>) target_semaphore(%arg15 : memref<!tpu.dma_semaphore, #tpu.memory_space<semaphore_mem>>)
    %add3A_654 = arith.constant 86016 : i32
    %add3A_655 = arith.addi %multiple_of3A_35, %add3A_654 : i32
    %multiple_of3A_656 = tpu.assume_multiple %add3A_655, 128 : i32
    %dma_wait3A_657 = tpu.memref_slice %arg3[%multiple_of3A, %multiple_of3A_656] : memref<64x1000000xf32, #tpu.memory_space<hbm>> -> memref<8x3072xf32, #tpu.memory_space<hbm>>
    %dma_wait3A_658 = tpu.memref_slice %arg3[%multiple_of3A, %multiple_of3A_656] : memref<64x1000000xf32, #tpu.memory_space<hbm>> -> memref<8x3072xf32, #tpu.memory_space<hbm>>
    tpu.wait_dma2 semaphore(%arg12 : memref<!tpu.dma_semaphore, #tpu.memory_space<semaphore_mem>>) src(%arg4 : memref<8x3072xf32, #tpu.memory_space<vmem>>) dst(%dma_wait3A_658 : memref<8x3072xf32, #tpu.memory_space<hbm>>)
    %add3A_659 = arith.constant 89088 : i32
    %add3A_660 = arith.addi %multiple_of3A_35, %add3A_659 : i32
    %multiple_of3A_661 = tpu.assume_multiple %add3A_660, 128 : i32
    %dma_wait3A_662 = tpu.memref_slice %arg3[%multiple_of3A, %multiple_of3A_661] : memref<64x1000000xf32, #tpu.memory_space<hbm>> -> memref<8x3072xf32, #tpu.memory_space<hbm>>
    %dma_wait3A_663 = tpu.memref_slice %arg3[%multiple_of3A, %multiple_of3A_661] : memref<64x1000000xf32, #tpu.memory_space<hbm>> -> memref<8x3072xf32, #tpu.memory_space<hbm>>
    tpu.wait_dma2 semaphore(%arg13 : memref<!tpu.dma_semaphore, #tpu.memory_space<semaphore_mem>>) src(%arg5 : memref<8x3072xf32, #tpu.memory_space<vmem>>) dst(%dma_wait3A_663 : memref<8x3072xf32, #tpu.memory_space<hbm>>)
    %add3A_664 = arith.constant 92160 : i32
    %add3A_665 = arith.addi %multiple_of3A_35, %add3A_664 : i32
    %multiple_of3A_666 = tpu.assume_multiple %add3A_665, 128 : i32
    %dma_wait3A_667 = tpu.memref_slice %arg3[%multiple_of3A, %multiple_of3A_666] : memref<64x1000000xf32, #tpu.memory_space<hbm>> -> memref<8x3072xf32, #tpu.memory_space<hbm>>
    %dma_wait3A_668 = tpu.memref_slice %arg3[%multiple_of3A, %multiple_of3A_666] : memref<64x1000000xf32, #tpu.memory_space<hbm>> -> memref<8x3072xf32, #tpu.memory_space<hbm>>
    tpu.wait_dma2 semaphore(%arg14 : memref<!tpu.dma_semaphore, #tpu.memory_space<semaphore_mem>>) src(%arg6 : memref<8x3072xf32, #tpu.memory_space<vmem>>) dst(%dma_wait3A_668 : memref<8x3072xf32, #tpu.memory_space<hbm>>)
    %add3A_669 = arith.constant 95232 : i32
    %add3A_670 = arith.addi %multiple_of3A_35, %add3A_669 : i32
    %multiple_of3A_671 = tpu.assume_multiple %add3A_670, 128 : i32
    %dma_wait3A_672 = tpu.memref_slice %arg3[%multiple_of3A, %multiple_of3A_671] : memref<64x1000000xf32, #tpu.memory_space<hbm>> -> memref<8x3072xf32, #tpu.memory_space<hbm>>
    %dma_wait3A_673 = tpu.memref_slice %arg3[%multiple_of3A, %multiple_of3A_671] : memref<64x1000000xf32, #tpu.memory_space<hbm>> -> memref<8x3072xf32, #tpu.memory_space<hbm>>
    tpu.wait_dma2 semaphore(%arg15 : memref<!tpu.dma_semaphore, #tpu.memory_space<semaphore_mem>>) src(%arg7 : memref<8x3072xf32, #tpu.memory_space<vmem>>) dst(%dma_wait3A_673 : memref<8x3072xf32, #tpu.memory_space<hbm>>)
    return
  }
}

module attributes {stable_mosaic.version = 14 : i64} {
  func.func @_tc_body(%arg0: i32, %arg1: memref<64x32768xf32, #tpu.memory_space<vmem>>, %arg2: memref<64x1000000xf32, #tpu.memory_space<any>>, %arg3: memref<64x32768xf32, #tpu.memory_space<vmem>>) attributes {dimension_semantics = [#tpu.dimension_semantics<arbitrary>], iteration_bounds = array<i64: 19>, scalar_prefetch = 0 : i64, scratch_operands = 0 : i64, tpu.core_type = #tpu.core_type<tc>, window_params = [{transform_indices = @transform_0, window_bounds = array<i64: 64, 32768>}, {}, {transform_indices = @transform_2, window_bounds = array<i64: 64, 32768>}]} {
    %get3A = arith.constant 0 : index
    %get3A_0 = arith.constant 0 : index
    %get3A_1 = vector.load %arg1[%get3A, %get3A_0] : memref<64x32768xf32, #tpu.memory_space<vmem>>, vector<64x32768xf32>
    %swap3A = arith.constant 0 : index
    %swap3A_2 = arith.constant 0 : index
    %swap3A_3 = vector.load %arg3[%swap3A, %swap3A_2] : memref<64x32768xf32, #tpu.memory_space<vmem>>, vector<64x32768xf32>
    tpu.vector_store %arg3[%swap3A, %swap3A_2], %get3A_1 {strides = array<i32>} : memref<64x32768xf32, #tpu.memory_space<vmem>>, vector<64x32768xf32>,
    return
  }
  func.func @transform_0(%arg0: i32) -> (i32, i32) {
    %add3A = arith.constant 12 : i32
    %add3A_0 = arith.addi %arg0, %add3A : i32
    %c0_i32 = arith.constant 0 : i32
    %c0_i32_1 = arith.constant 0 : i32
    return %c0_i32, %add3A_0 : i32, i32
  }
  func.func @transform_2(%arg0: i32) -> (i32, i32) {
    %add3A = arith.constant 12 : i32
    %add3A_0 = arith.addi %arg0, %add3A : i32
    %c0_i32 = arith.constant 0 : i32
    %c0_i32_1 = arith.constant 0 : i32
    return %c0_i32, %add3A_0 : i32, i32
  }
}

</mosaic_0001>

<sc_bundles>
// kernel: kernel.4.cloned.1.call-start
scs
__scs_entry_jumppad:
0x0: {  	(pc) =	sbr.rel $0x88, $3  }
0x1: {  	(tag) =	ssettag $0x0;
	lr =	simm.s32 $0x1  }
0x2: {  	[smem:$0x3FA0] =	sst lr;
	_ =	strace $0xD0000000  }
0x3: {  	_ = 	snop  }
0x4: {  	_ = 	snop  }
0x5: {  	_ = 	snop  }
0x6: {  	_ = 	snop  }
0x7: {  	_ = 	snop  }
__scs_overlays_trampoline_lowered:
0x8: {  	[smem:$0x3FAF] =	sst s0  }
0x9: {  	[smem:$0x3FB0] =	sst s1  }
0xa: {  	[smem:$0x3FB1] =	sst s2  }
0xb: {  	[smem:$0x3FB2] =	sst s3  }
0xc: {  	[smem:$0x3FB3] =	sst s4  }
0xd: {  	[smem:$0x3FB4] =	sst s5  }
0xe: {  	[smem:$0x3FB5] =	sst s6  }
0xf: {  	[smem:$0x3FB6] =	sst s7  }
0x10: {  	[smem:$0x3FB7] =	sst s8  }
0x11: {  	[smem:$0x3FB8] =	sst s9;
	s0 =	simm.s32 @!p0 $0x0  }
0x12: {  	s1 =	sld [smem:$0x3F9E];
	s0 =	simm.s32 @p0 $0x1  }
0x13: {  	[smem:$0x3FB9] =	sst s0;
	s0 =	simm.s32 @!p1 $0x0  }
0x14: {  	s2 =	sld [smem:$0x3F9D];
	s0 =	simm.s32 @p1 $0x1  }
0x15: {  	[smem:$0x3FBA] =	sst s0;
	s0 =	simm.s32 @!p2 $0x0  }
0x16: {  	s3 =	sld [smem:$0x3FDB];
	s0 =	simm.s32 @p2 $0x1  }
0x17: {  	s4 =	simm.s32 $0x1BF5;
	[smem:$0x3FBC] =	sst s0  }
0x18: {  	s0 =	sld [smem:$0x3F9F];
	_ =	swait.ge [sflag:s4], $0x0  }
0x19: {  	s7 =	sld [smem:$0x3FA0]  }
0x1a: {  	s8 =	sadd.s32 $0xFFFFE003, lr  }
0x1b: {  	s9 =	sadd.s32 $0xFFFFFEF7, lr;
	s5 =	simm.s32 $0xFFFFFFFF;
	p2 =	slt.u32 s8, $0xFFFFF086  }
0x1c: {  	p1 =	slt.u32 s9, $0xF7A;
	s5 =	simm.s32 @!p2 $0x0  }
0x1d: {  	s5 =	simm.s32 @p1 $0x1;
	p0 =	seq.s32 s7, s2  }
0x1e: {  	s7 =	smul.u32 @!p0 $0xF7A, s2;
	p2 =	seq.s32 @!p0 s5, $0x0  }
0x1f: {  	s9 =	smul.u32 $0xF7A, s1;
	s8 =	simm.s32 @!p0 $0x1BF5;
	p2 =	por !p2, p0  }
0x20: {  	[sflag:s8] =	ssyncset.s32 @!p0 $0xFFFFF086;
	s6 =	sadd.s32 @!p0 s3, s7;
	s7 =	simm.s32 @!p0 $0x108  }
0x21: {  	s3 =	sadd.s32 s3, s9;
	s6 =	sadd.s32 @!p0 $0x88, s6;
	s7 =	simm.s32 @p2 $0x1082  }
0x22: {  	[simem:s7], [sflag:s8] =	dma.local @!p0 [hbm:s6], $0xF7A  }
0x23: {  	s9 =	sor.u32 $0xD0000000, s2;
	s6 =	simm.s32 $0x108;
	_ =	swait.ge @!p0 [sflag:s8], $0x0  }
0x24: {  	s3 =	sadd.s32 $0x88, s3;
	s6 =	simm.s32 @!p1 $0x1082;
	[sflag:s4] =	ssyncset.s32 $0xFFFFF086  }
0x25: {  	[simem:s6], [sflag:s4] =	dma.local [hbm:s3], $0xF7A  }
0x26: {  	[smem:$0x3FA0] =	sst s1;
	(tag) =	ssettag s2;
	_ =	strace s9  }
0x27: {  	s1 =	sld [smem:$0x3FB0]  }
0x28: {  	s2 =	sld [smem:$0x3FB1]  }
0x29: {  	s4 =	sld [smem:$0x3FB3]  }
0x2a: {  	p0 =	seq.s32 s5, $0x0;
	s5 =	sld [smem:$0x3FB4]  }
0x2b: {  	s6 =	sld [smem:$0x3FB5]  }
0x2c: {  	s7 =	sld [smem:$0x3FB6]  }
0x2d: {  	s3 =	simm.s32 $0x108;
	s8 =	sld [smem:$0x3FB7]  }
0x2e: {  	s3 =	simm.s32 @!p0 $0x1082;
	s9 =	sld [smem:$0x3FB8]  }
0x2f: {  	lr =	sadd.s32 s0, s3;
	s0 =	sld [smem:$0x3FAF]  }
0x30: {  	s3 =	sld [smem:$0x3FB2]  }
0x31: {  	[smem:$0x3FBB] =	sst s10  }
0x32: {  	s10 =	sld [smem:$0x3FB9];
	_ =	sdelay $0x3  }
0x33: {  	p0 =	seq.s32 s10, $0x1;
	s10 =	sld [smem:$0x3FBB];
	_ =	sdelay $0x3  }
0x34: {  	[smem:$0x3FBB] =	sst s10  }
0x35: {  	s10 =	sld [smem:$0x3FBA];
	_ =	sdelay $0x3  }
0x36: {  	p1 =	seq.s32 s10, $0x1;
	s10 =	sld [smem:$0x3FBB];
	_ =	sdelay $0x3  }
0x37: {  	[smem:$0x3FBB] =	sst s10  }
0x38: {  	s10 =	sld [smem:$0x3FBC]  }
0x39: {  	_ = 	snop;
	(pc) =	sbr.ind lr, $3  }
0x3a: {  	_ = 	snop  }
0x3b: {  	_ = 	snop  }
0x3c: {  	p2 =	seq.s32 s10, $0x1;
	s10 =	sld [smem:$0x3FBB]  }
0x3d: {  	_ =	shalt  }
0x3e: {  	_ =	shalt  }
0x3f: {  	_ =	shalt  }
0x40: {  	_ =	shalt  }
0x41: {  	_ =	shalt  }
0x42: {  	_ =	shalt  }
0x43: {  	_ =	shalt  }
0x44: {  	_ =	shalt  }
0x45: {  	_ =	shalt  }
0x46: {  	_ =	shalt  }
0x47: {  	_ =	shalt  }
0x48: {  	_ =	shalt  }
0x49: {  	_ =	shalt  }
0x4a: {  	_ =	shalt  }
0x4b: {  	_ =	shalt  }
0x4c: {  	_ =	shalt  }
0x4d: {  	_ =	shalt  }
0x4e: {  	_ =	shalt  }
0x4f: {  	_ =	shalt  }
0x50: {  	_ =	shalt  }
0x51: {  	_ =	shalt  }
0x52: {  	_ =	shalt  }
0x53: {  	_ =	shalt  }
0x54: {  	_ =	shalt  }
0x55: {  	_ =	shalt  }
0x56: {  	_ =	shalt  }
0x57: {  	_ =	shalt  }
0x58: {  	_ =	shalt  }
0x59: {  	_ =	shalt  }
0x5a: {  	_ =	shalt  }
0x5b: {  	_ =	shalt  }
0x5c: {  	_ =	shalt  }
0x5d: {  	_ =	shalt  }
0x5e: {  	_ =	shalt  }
0x5f: {  	_ =	shalt  }
0x60: {  	_ =	shalt  }
0x61: {  	_ =	shalt  }
0x62: {  	_ =	shalt  }
0x63: {  	_ =	shalt  }
0x64: {  	_ =	shalt  }
0x65: {  	_ =	shalt  }
0x66: {  	_ =	shalt  }
0x67: {  	_ =	shalt  }
0x68: {  	_ =	shalt  }
0x69: {  	_ =	shalt  }
0x6a: {  	_ =	shalt  }
0x6b: {  	_ =	shalt  }
0x6c: {  	_ =	shalt  }
0x6d: {  	_ =	shalt  }
0x6e: {  	_ =	shalt  }
0x6f: {  	_ =	shalt  }
0x70: {  	_ =	shalt  }
0x71: {  	_ =	shalt  }
0x72: {  	_ =	shalt  }
0x73: {  	_ =	shalt  }
0x74: {  	_ =	shalt  }
0x75: {  	_ =	shalt  }
0x76: {  	_ =	shalt  }
0x77: {  	_ =	shalt  }
0x78: {  	_ =	shalt  }
0x79: {  	_ =	shalt  }
0x7a: {  	_ =	shalt  }
0x7b: {  	_ =	shalt  }
0x7c: {  	_ =	shalt  }
0x7d: {  	_ =	shalt  }
0x7e: {  	_ =	shalt  }
0x7f: {  	_ =	shalt  }
0x80: {  	_ =	shalt  }
0x81: {  	_ =	shalt  }
0x82: {  	_ =	shalt  }
0x83: {  	_ =	shalt  }
0x84: {  	_ =	shalt  }
0x85: {  	_ =	shalt  }
0x86: {  	_ =	shalt  }
0x87: {  	_ =	shalt  }
.Lfunc_end0:
.L_simem_size_0:
called_computation_lowered:
.L_overlay_start_0:
0x88: {  	s2 =	sld [smem:$0x3FD9]  }
0x89: {  	s3 =	sld [smem:$0x3FFE];
	_ =	sdelay $0x1  }
0x8a: {  	s1 =	srdreg.scid  }
0x8b: {  	s0 =	sand.u32 $0x1, s1  }
0x8c: {  	s18 =	sshll.u32 s0, $0xA;
	s2 =	sadd.s32 s3, s2  }
0x8d: {  	s2 =	sadd.s32 s2, s18  }
0x8e: {  	[smem:$0x3FC7] =	sst s2  }
0x8f: {  	_ = 	snop  }
0x90: {  	s2 =	sld [smem:$0x3FC9]  }
0x91: {  	s19 =	sld [smem:$0x3FD0];
	(tm) =	ssettm $0x1  }
0x92: {  	s4 =	sld [smem:$0x3FFB];
	_ =	sdelay $0x3  }
0x93: {  	_ =	strace s4  }
0x94: {  	s4 =	sld [smem:$0x3FFC];
	_ =	sdelay $0x3  }
0x95: {  	_ =	strace s4  }
0x96: {  	s4 =	sld [smem:$0x3FFD];
	_ =	sdelay $0x3  }
0x97: {  	_ =	strace s4  }
0x98: {  	_ =	strace $0x8FFFFFFF  }
0x99: {  	s20 =	sld [smem:$0x3FDB];
	_ =	sdelay $0x1  }
0x9a: {  	s5 =	simm.s32 $_scs_section_size  }
0x9b: {  	s6 =	simm.s32 $_size__tile_overlayer_lowered;
	s7 =	simm.s32 $_tile_overlayer_lowered  }
0x9c: {  	s23 =	simm.s32 $0x1BFF;
	s22 =	sshll.u32 s7, $0x1;
	s4 =	sadd.s32 s5, s20  }
0x9d: {  	s8 =	simm.s32 $0x0;
	s21 =	sshll.u32 s6, $0x1;
	s6 =	sadd.s32 s22, s4  }
0x9e: {  	[timem:s8], [sflag:s23] =	dma.local [hbm:s6], s21  }
0x9f: {  	_ =	swait.ge [sflag:s23], s21  }
0xa0: {  	s5 =	ssub.s32 $0x0, s21;
	[sflag:s23] =	ssyncset.done $0x0  }
0xa1: {  	[sflag:s23] =	ssyncadd.s32 s5;
	_ =	sdelay $0x1  }
0xa2: {  	s24 =	simm.s32 $0x1B8B  }
0xa3: {  	_ =	swait.ge [sflag:s24], $0x1  }
0xa4: {  	[sflag:s24] =	ssyncset.done $0x0  }
0xa5: {  	s25 =	simm.s32 $0x1B8E;
	[sflag:s24] =	ssyncadd.s32 $0xFFFFFFFF  }
0xa6: {  	s26 =	simm.s32 $execute0_lowered;
	[smem:$0x3FD2] =	sst s25  }
0xa7: {  	s5 =	sshll.u32 s26, $0x1;
	_ =	strace $0x80000046;
	[dreg:$0x1] =	wrdreg $0xFFFFFFFF  }
0xa8: {  	s28 =	simm.s32 $_size_execute0_lowered;
	s4 =	sadd.s32 s4, s5;
	[dreg:$0x0] =	wrdreg $0x0  }
0xa9: {  	s5 =	sshll.u32 s28, $0x1;
	[dreg:$0x2] =	wrdreg s4  }
0xaa: {  	[dreg:$0x3] =	wrdreg s5  }
0xab: {  	[dreg:$0x4] =	wrdreg $0xC0  }
0xac: {  	_ =	task [dreg:s8], $0x5FFFF  }
0xad: {  	[dreg:$0x1] =	wrdreg $0xFFFFFFFF  }
0xae: {  	[dreg:$0x0] =	wrdreg $0x60  }
0xaf: {  	[dreg:$0x2] =	wrdreg s2  }
0xb0: {  	[dreg:$0x3] =	wrdreg s19  }
0xb1: {  	[dreg:$0x4] =	wrdreg $0x9  }
0xb2: {  	_ =	task.clear_ibuf [dreg:s8], $0x5FFFF;
	_ =	strace $0x90000046  }
0xb3: {  	s29 =	simm.s32 $0x9;
	_ =	strace $0x80000048  }
0xb4: {  	_ =	swait.ge [sflag:s29], $0x1  }
0xb5: {  	[sflag:s29] =	ssyncadd.s32 $0xFFFFFFFF  }
0xb6: {  	_ =	strace $0x90000048  }
0xb7: {  	_ =	sfence  }
0xb8: {  	s30 =	sld [smem:$0x0];
	_ =	sdelay $0x2  }
0xb9: {  	s31 =	sshll.u32 s1, $0xD;
	s1 =	sshrl.u32 s1, $0x2  }
0xba: {  	s3 =	sand.u32 $0x4000, s31;
	s1 =	sadd.s32 s1, s30  }
0xbb: {  	s0 =	sor.u32 s3, s0;
	s1 =	sshll.u32 s1, $0x11  }
0xbc: {  	s0 =	sor.u32 s1, s0  }
0xbd: {  	s0 =	sadd.s32 $0x8F2B, s0  }
0xbe: {  	[sflag:s0] =	ssyncadd.remote.s32 $0x1  }
0xbf: {  	_ =	sfence.sel $0xFFFF  }
0xc0: {  	[dreg:$0x0] =	wrdreg $0xFFFFFFFF;
	(pc) =	sbr.abs _section_cstart, $3  }
0xc1: {  	[dreg:$0x1] =	wrdreg $0xFFFFFFFF  }
0xc2: {  	_ =	task.clear_ibuf [dreg:s8], $0x2FFFF;
	_ =	strace $0x9FFFFFFF  }
0xc3: {  	(tm) =	ssettm $0x7FFFFFFF  }
tec
execute0_lowered:
.L_overlay_start_1:
0x0: {  	(tag) =	ssettag $0x1  }
0x1: {  	s2 =	stileid.u32  }
0x2: {  	s0 =	srdreg.scid;
	s1 =	sshll.u32 s2, $0x1  }
0x3: {  	s5 =	sand.u32 $0x1, s0;
	s13 =	sshrl.u32 s2, $0x1;
	s1 =	sand.u32 $0x2, s1  }
0x4: {  	s0 =	smul.u32 $0x7A1400, s13;
	s1 =	sor.u32 s5, s1  }
0x5: {  	s4 =	smul.u32 $0xC0000, s1;
	_ =	sdelay $0x1  }
0x6: {  	s3 =	rddreg [dreg:$0x0];
	s2 =	simm.s32 $0x0;
	s0 =	sadd.s32 s0, s4  }
0x7: {  	[smem:$0x7FF] =	sst s2;
	s4 =	sshrl.u32 s0, $0x3  }
0x8: {  	s1 =	rddreg [dreg:$0x1];
	_ =	strace $0x80000047;
	s0 =	sadd.s32 s3, s4  }
0x9: {  	s6 =	sadd.s32 $0xC00, s4;
	s16 =	sadd.s32 s1, s4;
	[dreg:$0x3] =	wrdreg s0  }
0xa: {  	s7 =	sadd.s32 $0x1800, s4;
	s14 =	sadd.s32 s3, s6;
	[dreg:$0x6] =	wrdreg s16  }
0xb: {  	s8 =	sadd.s32 $0x2400, s4;
	s15 =	sadd.s32 s3, s7;
	[dreg:$0x4] =	wrdreg s14  }
0xc: {  	s17 =	sadd.s32 s3, s8;
	[dreg:$0x5] =	wrdreg s15  }
0xd: {  	s19 =	sadd.s32 $0x3000, s4;
	s18 =	sadd.s32 s1, s6;
	[dreg:$0x7] =	wrdreg s17  }
0xe: {  	s20 =	sadd.s32 s3, s19;
	[dreg:$0x8] =	wrdreg s18  }
0xf: {  	s22 =	sadd.s32 $0x3C00, s4;
	s21 =	sadd.s32 s1, s7;
	[dreg:$0x9] =	wrdreg s20  }
0x10: {  	s23 =	sadd.s32 s3, s22;
	[dreg:$0xa] =	wrdreg s21  }
0x11: {  	s25 =	sadd.s32 $0x4800, s4;
	s24 =	sadd.s32 s1, s8;
	[dreg:$0xb] =	wrdreg s23  }
0x12: {  	s26 =	sadd.s32 s3, s25;
	[dreg:$0xc] =	wrdreg s24  }
0x13: {  	s10 =	sadd.s32 $0x5400, s4;
	s9 =	sadd.s32 s1, s19;
	[dreg:$0xd] =	wrdreg s26  }
0x14: {  	s11 =	sadd.s32 s3, s10;
	[dreg:$0xe] =	wrdreg s9  }
0x15: {  	s12 =	sadd.s32 s1, s22;
	[dreg:$0xf] =	wrdreg s11  }
0x16: {  	s13 =	sadd.s32 $0x6000, s4;
	[dreg:$0x10] =	wrdreg s12  }
0x17: {  	s14 =	sadd.s32 s3, s13;
	s0 =	rddreg [dreg:$0x3]  }
0x18: {  	s16 =	sadd.s32 $0x6C00, s4;
	s15 =	sadd.s32 s1, s25;
	[dreg:$0x11] =	wrdreg s14  }
0x19: {  	s17 =	sadd.s32 s3, s16;
	[dreg:$0x12] =	wrdreg s15  }
0x1a: {  	s19 =	sadd.s32 $0x7800, s4;
	s18 =	sadd.s32 s1, s10;
	[dreg:$0x13] =	wrdreg s17  }
0x1b: {  	s20 =	sadd.s32 s3, s19;
	[dreg:$0x14] =	wrdreg s18  }
0x1c: {  	s22 =	sadd.s32 $0x8400, s4;
	s21 =	sadd.s32 s1, s13;
	[dreg:$0x15] =	wrdreg s20  }
0x1d: {  	s23 =	sadd.s32 s3, s22;
	[dreg:$0x16] =	wrdreg s21  }
0x1e: {  	s24 =	sadd.s32 s1, s16;
	[dreg:$0x17] =	wrdreg s23  }
0x1f: {  	s9 =	sadd.s32 s1, s19;
	[dreg:$0x18] =	wrdreg s24  }
0x20: {  	s25 =	sadd.s32 $0x9000, s4;
	s12 =	sadd.s32 s1, s22;
	[dreg:$0x1a] =	wrdreg s9  }
0x21: {  	s10 =	sadd.s32 $0x9C00, s4;
	s26 =	sadd.s32 s3, s25;
	[dreg:$0x1c] =	wrdreg s12  }
0x22: {  	s13 =	sadd.s32 $0xA800, s4;
	s11 =	sadd.s32 s3, s10;
	[dreg:$0x19] =	wrdreg s26  }
0x23: {  	p0 =	por $0x0, $0x0;
	s14 =	sadd.s32 s3, s13;
	[dreg:$0x1b] =	wrdreg s11  }
0x24: {  	s16 =	sadd.s32 $0xB400, s4;
	s15 =	sadd.s32 s1, s25;
	[dreg:$0x1d] =	wrdreg s14  }
0x25: {  	s5 =	ssub.s32 $0x2, s5;
	s17 =	sadd.s32 s3, s16;
	[dreg:$0x1e] =	wrdreg s15  }
0x26: {  	s19 =	sadd.s32 $0xC000, s4;
	s18 =	sadd.s32 s1, s10;
	[dreg:$0x1f] =	wrdreg s17  }
0x27: {  	s6 =	simm.s32 $0x12000;
	s20 =	sadd.s32 s3, s19;
	[smem:$0x7EC] =	sst s18  }
0x28: {  	s22 =	sadd.s32 $0xCC00, s4;
	s21 =	sadd.s32 s1, s13;
	[smem:$0x7ED] =	sst s20  }
0x29: {  	s7 =	simm.s32 $0x7;
	s23 =	sadd.s32 s3, s22;
	[smem:$0x7EE] =	sst s21  }
0x2a: {  	s24 =	sadd.s32 s1, s16;
	s25 =	sadd.s32 $0xD800, s4;
	[smem:$0x7EF] =	sst s23  }
0x2b: {  	s9 =	sadd.s32 s1, s19;
	s10 =	sadd.s32 $0xE400, s4;
	[smem:$0x7F0] =	sst s24  }
0x2c: {  	s12 =	sadd.s32 s1, s22;
	s13 =	sadd.s32 $0xF000, s4;
	[smem:$0x7F2] =	sst s9  }
0x2d: {  	s16 =	sadd.s32 $0xFC00, s4;
	s26 =	sadd.s32 s3, s25;
	[smem:$0x7F4] =	sst s12  }
0x2e: {  	s19 =	sadd.s32 $0x10800, s4;
	s11 =	sadd.s32 s3, s10;
	[smem:$0x7F1] =	sst s26  }
0x2f: {  	s22 =	sadd.s32 $0x11400, s4;
	s14 =	sadd.s32 s3, s13;
	[smem:$0x7F3] =	sst s11  }
0x30: {  	s15 =	sadd.s32 s1, s25;
	s17 =	sadd.s32 s3, s16;
	[smem:$0x7F5] =	sst s14  }
0x31: {  	s18 =	sadd.s32 s1, s10;
	s20 =	sadd.s32 s3, s19;
	[smem:$0x7F6] =	sst s15  }
0x32: {  	s21 =	sadd.s32 s1, s13;
	s23 =	sadd.s32 s3, s22;
	[smem:$0x7F7] =	sst s17  }
0x33: {  	s24 =	sadd.s32 s1, s16;
	s25 =	sadd.s32 $0x12000, s4;
	[smem:$0x7F8] =	sst s18  }
0x34: {  	s9 =	sshrl.u32 s5, $0x1;
	s31 =	sadd.s32 s1, s19;
	[smem:$0x7F9] =	sst s20  }
0x35: {  	s10 =	sadd.s32 $0x13800, s4;
	s29 =	sadd.s32 s1, s22;
	[smem:$0x7FA] =	sst s21  }
0x36: {  	s12 =	sadd.s32 $0x15000, s4;
	s13 =	sadd.s32 $0x15C00, s4;
	[smem:$0x7FB] =	sst s23  }
0x37: {  	s16 =	sadd.s32 $0x16800, s4;
	[smem:$0x7FC] =	sst s24;
	s26 =	sadd.s32 s3, s25  }
0x38: {  	s5 =	ssub.s32 s5, s9;
	s9 =	sadd.s32 $0x12C00, s4;
	s28 =	sadd.s32 s3, s10  }
0x39: {  	s11 =	sadd.s32 $0x14400, s4;
	s23 =	sadd.s32 s3, s12;
	s22 =	sadd.s32 s1, s10  }
0x3a: {  	s20 =	sadd.s32 s3, s13;
	s15 =	sadd.s32 s3, s16;
	s17 =	sadd.s32 $0x17400, s4  }
0x3b: {  	s14 =	sadd.s32 s1, s12;
	s8 =	sadd.s32 s1, s13;
	s4 =	sadd.s32 s1, s16  }
0x3c: {  	s13 =	simm.s32 $0x6000;
	s10 =	simm.s32 $0xC000;
	s18 =	smax.u32 s5, $0x1  }
0x3d: {  	s21 =	simm.s32 $0x1;
	s16 =	simm.s32 $0x4;
	p1 =	sne.s32 s18, $0x1  }
.Ltmp0:
0x3e: {  	[smem:$0x7FD] =	sst s26;
	s30 =	sadd.s32 s3, s9;
	(pc) =	sbr.rel @!p1 .LBB2_3-.Ltmp0, $4  }
0x3f: {  	s26 =	sadd.s32 s1, s25;
	s25 =	sadd.s32 s3, s11;
	s24 =	sadd.s32 s1, s9  }
0x40: {  	s19 =	sadd.s32 s1, s11;
	s12 =	sadd.s32 s3, s17;
	s3 =	sadd.s32 s1, s17  }
0x41: {  	s17 =	simm.s32 $0x2;
	s11 =	simm.s32 $0x5;
	s9 =	simm.s32 $0x6  }
0x42: {  	s5 =	simm.s32 $0x8;
	s1 =	sadd.s32 $0xFFFFFFFF, s18;
	s18 =	simm.s32 $0x3  }
0x43: {  	[smem:$0x7EB] =	sst s1  }
0x44: {  	[tilespmem:s2], [sflag:$0x1] =	stream.linear.gather [hbm4b:s0+s2], $0x6000, $0x38;
	[tilespmem:$0x18000] =	vst v63  }
0x45: {  	s1 =	rddreg [dreg:$0x4]  }
0x46: {  	[tilespmem:s13], [sflag:$0x2] =	stream.linear.gather [hbm4b:s1+s2], $0x6000, $0x38;
	[tilespmem:$0x18000] =	vst v63  }
0x47: {  	s0 =	rddreg [dreg:$0x5]  }
0x48: {  	[tilespmem:s10], [sflag:$0x3] =	stream.linear.gather [hbm4b:s0+s2], $0x6000, $0x38;
	[tilespmem:$0x18000] =	vst v63  }
0x49: {  	_ =	swait.ge [sflag:s21], $0x6000  }
0x4a: {  	[sflag:s21] =	ssyncset.done $0x0  }
0x4b: {  	s0 =	rddreg [dreg:$0x6];
	[sflag:s21] =	ssyncadd.s32 $0xFFFFA000  }
0x4c: {  	[hbm4b:s0+s2] =	stream.linear.scatter [tilespmem:s2], [sflag:$0x5], $0x6000, $0x38;
	[tilespmem:$0x18000] =	vst v63  }
0x4d: {  	s1 =	rddreg [dreg:$0x7]  }
0x4e: {  	[tilespmem:s6], [sflag:$0x4] =	stream.linear.gather [hbm4b:s1+s2], $0x6000, $0x38;
	[tilespmem:$0x18000] =	vst v63  }
0x4f: {  	_ =	swait.ge [sflag:s17], $0x6000  }
0x50: {  	[sflag:s17] =	ssyncset.done $0x0  }
0x51: {  	s1 =	rddreg [dreg:$0x8];
	[sflag:s17] =	ssyncadd.s32 $0xFFFFA000  }
0x52: {  	[hbm4b:s1+s2] =	stream.linear.scatter [tilespmem:s13], [sflag:$0x6], $0x6000, $0x38;
	[tilespmem:$0x18000] =	vst v63  }
0x53: {  	_ =	swait.ge [sflag:s11], $0x6000  }
0x54: {  	[sflag:s11] =	ssyncset.done $0x0  }
0x55: {  	s1 =	rddreg [dreg:$0x9];
	[sflag:s11] =	ssyncadd.s32 $0xFFFFA000  }
0x56: {  	[tilespmem:s2], [sflag:$0x1] =	stream.linear.gather [hbm4b:s1+s2], $0x6000, $0x38;
	[tilespmem:$0x18000] =	vst v63  }
0x57: {  	_ =	swait.ge [sflag:s18], $0x6000  }
0x58: {  	[sflag:s18] =	ssyncset.done $0x0  }
0x59: {  	s1 =	rddreg [dreg:$0xa];
	[sflag:s18] =	ssyncadd.s32 $0xFFFFA000  }
0x5a: {  	[hbm4b:s1+s2] =	stream.linear.scatter [tilespmem:s10], [sflag:$0x7], $0x6000, $0x38;
	[tilespmem:$0x18000] =	vst v63  }
0x5b: {  	_ =	swait.ge [sflag:s9], $0x6000  }
0x5c: {  	[sflag:s9] =	ssyncset.done $0x0  }
0x5d: {  	s1 =	rddreg [dreg:$0xb];
	[sflag:s9] =	ssyncadd.s32 $0xFFFFA000  }
0x5e: {  	[tilespmem:s13], [sflag:$0x2] =	stream.linear.gather [hbm4b:s1+s2], $0x6000, $0x38;
	[tilespmem:$0x18000] =	vst v63  }
0x5f: {  	_ =	swait.ge [sflag:s16], $0x6000  }
0x60: {  	[sflag:s16] =	ssyncset.done $0x0  }
0x61: {  	s1 =	rddreg [dreg:$0xc];
	[sflag:s16] =	ssyncadd.s32 $0xFFFFA000  }
0x62: {  	[hbm4b:s1+s2] =	stream.linear.scatter [tilespmem:s6], [sflag:$0x8], $0x6000, $0x38;
	[tilespmem:$0x18000] =	vst v63  }
0x63: {  	_ =	swait.ge [sflag:s7], $0x6000  }
0x64: {  	[sflag:s7] =	ssyncset.done $0x0  }
0x65: {  	s1 =	rddreg [dreg:$0xd];
	[sflag:s7] =	ssyncadd.s32 $0xFFFFA000  }
0x66: {  	[tilespmem:s10], [sflag:$0x3] =	stream.linear.gather [hbm4b:s1+s2], $0x6000, $0x38;
	[tilespmem:$0x18000] =	vst v63  }
0x67: {  	_ =	swait.ge [sflag:s21], $0x6000  }
0x68: {  	[sflag:s21] =	ssyncset.done $0x0  }
0x69: {  	s1 =	rddreg [dreg:$0xe];
	[sflag:s21] =	ssyncadd.s32 $0xFFFFA000  }
0x6a: {  	[hbm4b:s1+s2] =	stream.linear.scatter [tilespmem:s2], [sflag:$0x5], $0x6000, $0x38;
	[tilespmem:$0x18000] =	vst v63  }
0x6b: {  	_ =	swait.ge [sflag:s5], $0x6000  }
0x6c: {  	[sflag:s5] =	ssyncset.done $0x0  }
0x6d: {  	s1 =	rddreg [dreg:$0xf];
	[sflag:s5] =	ssyncadd.s32 $0xFFFFA000  }
0x6e: {  	[tilespmem:s6], [sflag:$0x4] =	stream.linear.gather [hbm4b:s1+s2], $0x6000, $0x38;
	[tilespmem:$0x18000] =	vst v63  }
0x6f: {  	_ =	swait.ge [sflag:s17], $0x6000  }
0x70: {  	[sflag:s17] =	ssyncset.done $0x0  }
0x71: {  	s1 =	rddreg [dreg:$0x10];
	[sflag:s17] =	ssyncadd.s32 $0xFFFFA000  }
0x72: {  	[hbm4b:s1+s2] =	stream.linear.scatter [tilespmem:s13], [sflag:$0x6], $0x6000, $0x38;
	[tilespmem:$0x18000] =	vst v63  }
0x73: {  	_ =	swait.ge [sflag:s11], $0x6000  }
0x74: {  	[sflag:s11] =	ssyncset.done $0x0  }
0x75: {  	s1 =	rddreg [dreg:$0x11];
	[sflag:s11] =	ssyncadd.s32 $0xFFFFA000  }
0x76: {  	[tilespmem:s2], [sflag:$0x1] =	stream.linear.gather [hbm4b:s1+s2], $0x6000, $0x38;
	[tilespmem:$0x18000] =	vst v63  }
0x77: {  	_ =	swait.ge [sflag:s18], $0x6000  }
0x78: {  	[sflag:s18] =	ssyncset.done $0x0  }
0x79: {  	s1 =	rddreg [dreg:$0x12];
	[sflag:s18] =	ssyncadd.s32 $0xFFFFA000  }
0x7a: {  	[hbm4b:s1+s2] =	stream.linear.scatter [tilespmem:s10], [sflag:$0x7], $0x6000, $0x38;
	[tilespmem:$0x18000] =	vst v63  }
0x7b: {  	_ =	swait.ge [sflag:s9], $0x6000  }
0x7c: {  	[sflag:s9] =	ssyncset.done $0x0  }
0x7d: {  	s1 =	rddreg [dreg:$0x13];
	[sflag:s9] =	ssyncadd.s32 $0xFFFFA000  }
0x7e: {  	[tilespmem:s13], [sflag:$0x2] =	stream.linear.gather [hbm4b:s1+s2], $0x6000, $0x38;
	[tilespmem:$0x18000] =	vst v63  }
0x7f: {  	_ =	swait.ge [sflag:s16], $0x6000  }
0x80: {  	[sflag:s16] =	ssyncset.done $0x0  }
0x81: {  	s1 =	rddreg [dreg:$0x14];
	[sflag:s16] =	ssyncadd.s32 $0xFFFFA000  }
0x82: {  	[hbm4b:s1+s2] =	stream.linear.scatter [tilespmem:s6], [sflag:$0x8], $0x6000, $0x38;
	[tilespmem:$0x18000] =	vst v63  }
0x83: {  	_ =	swait.ge [sflag:s7], $0x6000  }
0x84: {  	[sflag:s7] =	ssyncset.done $0x0  }
0x85: {  	s1 =	rddreg [dreg:$0x15];
	[sflag:s7] =	ssyncadd.s32 $0xFFFFA000  }
0x86: {  	[tilespmem:s10], [sflag:$0x3] =	stream.linear.gather [hbm4b:s1+s2], $0x6000, $0x38;
	[tilespmem:$0x18000] =	vst v63  }
0x87: {  	_ =	swait.ge [sflag:s21], $0x6000  }
0x88: {  	[sflag:s21] =	ssyncset.done $0x0  }
0x89: {  	s1 =	rddreg [dreg:$0x16];
	[sflag:s21] =	ssyncadd.s32 $0xFFFFA000  }
0x8a: {  	[hbm4b:s1+s2] =	stream.linear.scatter [tilespmem:s2], [sflag:$0x5], $0x6000, $0x38;
	[tilespmem:$0x18000] =	vst v63  }
0x8b: {  	_ =	swait.ge [sflag:s5], $0x6000  }
0x8c: {  	[sflag:s5] =	ssyncset.done $0x0  }
0x8d: {  	s1 =	rddreg [dreg:$0x17];
	[sflag:s5] =	ssyncadd.s32 $0xFFFFA000  }
0x8e: {  	[tilespmem:s6], [sflag:$0x4] =	stream.linear.gather [hbm4b:s1+s2], $0x6000, $0x38;
	[tilespmem:$0x18000] =	vst v63  }
0x8f: {  	_ =	swait.ge [sflag:s17], $0x6000  }
0x90: {  	[sflag:s17] =	ssyncset.done $0x0  }
0x91: {  	s1 =	rddreg [dreg:$0x18];
	[sflag:s17] =	ssyncadd.s32 $0xFFFFA000  }
0x92: {  	[hbm4b:s1+s2] =	stream.linear.scatter [tilespmem:s13], [sflag:$0x6], $0x6000, $0x38;
	[tilespmem:$0x18000] =	vst v63  }
0x93: {  	_ =	swait.ge [sflag:s11], $0x6000  }
0x94: {  	[sflag:s11] =	ssyncset.done $0x0  }
0x95: {  	s1 =	rddreg [dreg:$0x19];
	[sflag:s11] =	ssyncadd.s32 $0xFFFFA000  }
0x96: {  	[tilespmem:s2], [sflag:$0x1] =	stream.linear.gather [hbm4b:s1+s2], $0x6000, $0x38;
	[tilespmem:$0x18000] =	vst v63  }
0x97: {  	_ =	swait.ge [sflag:s18], $0x6000  }
0x98: {  	[sflag:s18] =	ssyncset.done $0x0  }
0x99: {  	s1 =	rddreg [dreg:$0x1a];
	[sflag:s18] =	ssyncadd.s32 $0xFFFFA000  }
0x9a: {  	[hbm4b:s1+s2] =	stream.linear.scatter [tilespmem:s10], [sflag:$0x7], $0x6000, $0x38;
	[tilespmem:$0x18000] =	vst v63  }
0x9b: {  	_ =	swait.ge [sflag:s9], $0x6000  }
0x9c: {  	[sflag:s9] =	ssyncset.done $0x0  }
0x9d: {  	s1 =	rddreg [dreg:$0x1b];
	[sflag:s9] =	ssyncadd.s32 $0xFFFFA000  }
0x9e: {  	[tilespmem:s13], [sflag:$0x2] =	stream.linear.gather [hbm4b:s1+s2], $0x6000, $0x38;
	[tilespmem:$0x18000] =	vst v63  }
0x9f: {  	_ =	swait.ge [sflag:s16], $0x6000  }
0xa0: {  	[sflag:s16] =	ssyncset.done $0x0  }
0xa1: {  	s1 =	rddreg [dreg:$0x1c];
	[sflag:s16] =	ssyncadd.s32 $0xFFFFA000  }
0xa2: {  	[hbm4b:s1+s2] =	stream.linear.scatter [tilespmem:s6], [sflag:$0x8], $0x6000, $0x38;
	[tilespmem:$0x18000] =	vst v63  }
0xa3: {  	_ =	swait.ge [sflag:s7], $0x6000  }
0xa4: {  	[sflag:s7] =	ssyncset.done $0x0  }
0xa5: {  	s1 =	rddreg [dreg:$0x1d];
	[sflag:s7] =	ssyncadd.s32 $0xFFFFA000  }
0xa6: {  	[tilespmem:s10], [sflag:$0x3] =	stream.linear.gather [hbm4b:s1+s2], $0x6000, $0x38;
	[tilespmem:$0x18000] =	vst v63  }
0xa7: {  	_ =	swait.ge [sflag:s21], $0x6000  }
0xa8: {  	[sflag:s21] =	ssyncset.done $0x0  }
0xa9: {  	s1 =	rddreg [dreg:$0x1e];
	[sflag:s21] =	ssyncadd.s32 $0xFFFFA000  }
0xaa: {  	[hbm4b:s1+s2] =	stream.linear.scatter [tilespmem:s2], [sflag:$0x5], $0x6000, $0x38;
	[tilespmem:$0x18000] =	vst v63  }
0xab: {  	_ =	swait.ge [sflag:s5], $0x6000  }
0xac: {  	[sflag:s5] =	ssyncset.done $0x0  }
0xad: {  	s1 =	rddreg [dreg:$0x1f];
	[sflag:s5] =	ssyncadd.s32 $0xFFFFA000  }
0xae: {  	[tilespmem:s6], [sflag:$0x4] =	stream.linear.gather [hbm4b:s1+s2], $0x6000, $0x38;
	[tilespmem:$0x18000] =	vst v63  }
0xaf: {  	_ =	swait.ge [sflag:s17], $0x6000  }
0xb0: {  	s1 =	sld [smem:$0x7EC]  }
0xb1: {  	[sflag:s17] =	ssyncset.done $0x0  }
0xb2: {  	[sflag:s17] =	ssyncadd.s32 $0xFFFFA000  }
0xb3: {  	[hbm4b:s1+s2] =	stream.linear.scatter [tilespmem:s13], [sflag:$0x6], $0x6000, $0x38;
	[tilespmem:$0x18000] =	vst v63  }
0xb4: {  	_ =	swait.ge [sflag:s11], $0x6000  }
0xb5: {  	s1 =	sld [smem:$0x7ED]  }
0xb6: {  	[sflag:s11] =	ssyncset.done $0x0  }
0xb7: {  	[sflag:s11] =	ssyncadd.s32 $0xFFFFA000  }
0xb8: {  	[tilespmem:s2], [sflag:$0x1] =	stream.linear.gather [hbm4b:s1+s2], $0x6000, $0x38;
	[tilespmem:$0x18000] =	vst v63  }
0xb9: {  	_ =	swait.ge [sflag:s18], $0x6000  }
0xba: {  	s1 =	sld [smem:$0x7EE]  }
0xbb: {  	[sflag:s18] =	ssyncset.done $0x0  }
0xbc: {  	[sflag:s18] =	ssyncadd.s32 $0xFFFFA000  }
0xbd: {  	[hbm4b:s1+s2] =	stream.linear.scatter [tilespmem:s10], [sflag:$0x7], $0x6000, $0x38;
	[tilespmem:$0x18000] =	vst v63  }
0xbe: {  	_ =	swait.ge [sflag:s9], $0x6000  }
0xbf: {  	s1 =	sld [smem:$0x7EF]  }
0xc0: {  	[sflag:s9] =	ssyncset.done $0x0  }
0xc1: {  	[sflag:s9] =	ssyncadd.s32 $0xFFFFA000  }
0xc2: {  	[tilespmem:s13], [sflag:$0x2] =	stream.linear.gather [hbm4b:s1+s2], $0x6000, $0x38;
	[tilespmem:$0x18000] =	vst v63  }
0xc3: {  	_ =	swait.ge [sflag:s16], $0x6000  }
0xc4: {  	s1 =	sld [smem:$0x7F0]  }
0xc5: {  	[sflag:s16] =	ssyncset.done $0x0  }
0xc6: {  	[sflag:s16] =	ssyncadd.s32 $0xFFFFA000  }
0xc7: {  	[hbm4b:s1+s2] =	stream.linear.scatter [tilespmem:s6], [sflag:$0x8], $0x6000, $0x38;
	[tilespmem:$0x18000] =	vst v63  }
0xc8: {  	_ =	swait.ge [sflag:s7], $0x6000  }
0xc9: {  	s1 =	sld [smem:$0x7F1]  }
0xca: {  	[sflag:s7] =	ssyncset.done $0x0  }
0xcb: {  	[sflag:s7] =	ssyncadd.s32 $0xFFFFA000  }
0xcc: {  	[tilespmem:s10], [sflag:$0x3] =	stream.linear.gather [hbm4b:s1+s2], $0x6000, $0x38;
	[tilespmem:$0x18000] =	vst v63  }
0xcd: {  	_ =	swait.ge [sflag:s21], $0x6000  }
0xce: {  	s1 =	sld [smem:$0x7F2]  }
0xcf: {  	[sflag:s21] =	ssyncset.done $0x0  }
0xd0: {  	[sflag:s21] =	ssyncadd.s32 $0xFFFFA000  }
0xd1: {  	[hbm4b:s1+s2] =	stream.linear.scatter [tilespmem:s2], [sflag:$0x5], $0x6000, $0x38;
	[tilespmem:$0x18000] =	vst v63  }
0xd2: {  	_ =	swait.ge [sflag:s5], $0x6000  }
0xd3: {  	s1 =	sld [smem:$0x7F3]  }
0xd4: {  	[sflag:s5] =	ssyncset.done $0x0  }
0xd5: {  	[sflag:s5] =	ssyncadd.s32 $0xFFFFA000  }
0xd6: {  	[tilespmem:s6], [sflag:$0x4] =	stream.linear.gather [hbm4b:s1+s2], $0x6000, $0x38;
	[tilespmem:$0x18000] =	vst v63  }
0xd7: {  	_ =	swait.ge [sflag:s17], $0x6000  }
0xd8: {  	s1 =	sld [smem:$0x7F4]  }
0xd9: {  	[sflag:s17] =	ssyncset.done $0x0  }
0xda: {  	[sflag:s17] =	ssyncadd.s32 $0xFFFFA000  }
0xdb: {  	[hbm4b:s1+s2] =	stream.linear.scatter [tilespmem:s13], [sflag:$0x6], $0x6000, $0x38;
	[tilespmem:$0x18000] =	vst v63  }
0xdc: {  	_ =	swait.ge [sflag:s11], $0x6000  }
0xdd: {  	s1 =	sld [smem:$0x7F5]  }
0xde: {  	[sflag:s11] =	ssyncset.done $0x0  }
0xdf: {  	[sflag:s11] =	ssyncadd.s32 $0xFFFFA000  }
0xe0: {  	[tilespmem:s2], [sflag:$0x1] =	stream.linear.gather [hbm4b:s1+s2], $0x6000, $0x38;
	[tilespmem:$0x18000] =	vst v63  }
0xe1: {  	_ =	swait.ge [sflag:s18], $0x6000  }
0xe2: {  	s1 =	sld [smem:$0x7F6]  }
0xe3: {  	[sflag:s18] =	ssyncset.done $0x0  }
0xe4: {  	[sflag:s18] =	ssyncadd.s32 $0xFFFFA000  }
0xe5: {  	[hbm4b:s1+s2] =	stream.linear.scatter [tilespmem:s10], [sflag:$0x7], $0x6000, $0x38;
	[tilespmem:$0x18000] =	vst v63  }
0xe6: {  	_ =	swait.ge [sflag:s9], $0x6000  }
0xe7: {  	s1 =	sld [smem:$0x7F7]  }
0xe8: {  	[sflag:s9] =	ssyncset.done $0x0  }
0xe9: {  	[sflag:s9] =	ssyncadd.s32 $0xFFFFA000  }
0xea: {  	[tilespmem:s13], [sflag:$0x2] =	stream.linear.gather [hbm4b:s1+s2], $0x6000, $0x38;
	[tilespmem:$0x18000] =	vst v63  }
0xeb: {  	_ =	swait.ge [sflag:s16], $0x6000  }
0xec: {  	s1 =	sld [smem:$0x7F8]  }
0xed: {  	[sflag:s16] =	ssyncset.done $0x0  }
0xee: {  	[sflag:s16] =	ssyncadd.s32 $0xFFFFA000  }
0xef: {  	[hbm4b:s1+s2] =	stream.linear.scatter [tilespmem:s6], [sflag:$0x8], $0x6000, $0x38;
	[tilespmem:$0x18000] =	vst v63  }
0xf0: {  	_ =	swait.ge [sflag:s7], $0x6000  }
0xf1: {  	s1 =	sld [smem:$0x7F9]  }
0xf2: {  	[sflag:s7] =	ssyncset.done $0x0  }
0xf3: {  	[sflag:s7] =	ssyncadd.s32 $0xFFFFA000  }
0xf4: {  	[tilespmem:s10], [sflag:$0x3] =	stream.linear.gather [hbm4b:s1+s2], $0x6000, $0x38;
	[tilespmem:$0x18000] =	vst v63  }
0xf5: {  	_ =	swait.ge [sflag:s21], $0x6000  }
0xf6: {  	s1 =	sld [smem:$0x7FA]  }
0xf7: {  	[sflag:s21] =	ssyncset.done $0x0  }
0xf8: {  	[sflag:s21] =	ssyncadd.s32 $0xFFFFA000  }
0xf9: {  	[hbm4b:s1+s2] =	stream.linear.scatter [tilespmem:s2], [sflag:$0x5], $0x6000, $0x38;
	[tilespmem:$0x18000] =	vst v63  }
0xfa: {  	_ =	swait.ge [sflag:s5], $0x6000  }
0xfb: {  	s1 =	sld [smem:$0x7FB]  }
0xfc: {  	[sflag:s5] =	ssyncset.done $0x0  }
0xfd: {  	[sflag:s5] =	ssyncadd.s32 $0xFFFFA000  }
0xfe: {  	[tilespmem:s6], [sflag:$0x4] =	stream.linear.gather [hbm4b:s1+s2], $0x6000, $0x38;
	[tilespmem:$0x18000] =	vst v63  }
0xff: {  	_ =	swait.ge [sflag:s17], $0x6000  }
0x100: {  	s1 =	sld [smem:$0x7FC]  }
0x101: {  	[sflag:s17] =	ssyncset.done $0x0  }
0x102: {  	[sflag:s17] =	ssyncadd.s32 $0xFFFFA000  }
0x103: {  	[hbm4b:s1+s2] =	stream.linear.scatter [tilespmem:s13], [sflag:$0x6], $0x6000, $0x38;
	[tilespmem:$0x18000] =	vst v63  }
0x104: {  	_ =	swait.ge [sflag:s11], $0x6000  }
0x105: {  	s1 =	sld [smem:$0x7FD]  }
0x106: {  	[sflag:s11] =	ssyncset.done $0x0  }
0x107: {  	[sflag:s11] =	ssyncadd.s32 $0xFFFFA000  }
0x108: {  	[tilespmem:s2], [sflag:$0x1] =	stream.linear.gather [hbm4b:s1+s2], $0x6000, $0x38;
	[tilespmem:$0x18000] =	vst v63  }
0x109: {  	_ =	swait.ge [sflag:s18], $0x6000  }
0x10a: {  	[sflag:s18] =	ssyncset.done $0x0  }
0x10b: {  	[sflag:s18] =	ssyncadd.s32 $0xFFFFA000  }
0x10c: {  	[hbm4b:s31+s2] =	stream.linear.scatter [tilespmem:s10], [sflag:$0x7], $0x6000, $0x38;
	[tilespmem:$0x18000] =	vst v63  }
0x10d: {  	_ =	swait.ge [sflag:s9], $0x6000  }
0x10e: {  	[sflag:s9] =	ssyncset.done $0x0  }
0x10f: {  	[sflag:s9] =	ssyncadd.s32 $0xFFFFA000  }
0x110: {  	[tilespmem:s13], [sflag:$0x2] =	stream.linear.gather [hbm4b:s30+s2], $0x6000, $0x38;
	[tilespmem:$0x18000] =	vst v63  }
0x111: {  	_ =	swait.ge [sflag:s16], $0x6000  }
0x112: {  	[sflag:s16] =	ssyncset.done $0x0  }
0x113: {  	[sflag:s16] =	ssyncadd.s32 $0xFFFFA000  }
0x114: {  	[hbm4b:s29+s2] =	stream.linear.scatter [tilespmem:s6], [sflag:$0x8], $0x6000, $0x38;
	[tilespmem:$0x18000] =	vst v63  }
0x115: {  	_ =	swait.ge [sflag:s7], $0x6000  }
0x116: {  	[sflag:s7] =	ssyncset.done $0x0  }
0x117: {  	[sflag:s7] =	ssyncadd.s32 $0xFFFFA000  }
0x118: {  	[tilespmem:s10], [sflag:$0x3] =	stream.linear.gather [hbm4b:s28+s2], $0x6000, $0x38;
	[tilespmem:$0x18000] =	vst v63  }
0x119: {  	_ =	swait.ge [sflag:s21], $0x6000  }
0x11a: {  	[sflag:s21] =	ssyncset.done $0x0  }
0x11b: {  	[sflag:s21] =	ssyncadd.s32 $0xFFFFA000  }
0x11c: {  	[hbm4b:s26+s2] =	stream.linear.scatter [tilespmem:s2], [sflag:$0x5], $0x6000, $0x38;
	[tilespmem:$0x18000] =	vst v63  }
0x11d: {  	_ =	swait.ge [sflag:s5], $0x6000  }
0x11e: {  	[sflag:s5] =	ssyncset.done $0x0  }
0x11f: {  	[sflag:s5] =	ssyncadd.s32 $0xFFFFA000  }
0x120: {  	[tilespmem:s6], [sflag:$0x4] =	stream.linear.gather [hbm4b:s25+s2], $0x6000, $0x38;
	[tilespmem:$0x18000] =	vst v63  }
0x121: {  	_ =	swait.ge [sflag:s17], $0x6000  }
0x122: {  	[sflag:s17] =	ssyncset.done $0x0  }
0x123: {  	[sflag:s17] =	ssyncadd.s32 $0xFFFFA000  }
0x124: {  	[hbm4b:s24+s2] =	stream.linear.scatter [tilespmem:s13], [sflag:$0x6], $0x6000, $0x38;
	[tilespmem:$0x18000] =	vst v63  }
0x125: {  	_ =	swait.ge [sflag:s11], $0x6000  }
0x126: {  	[sflag:s11] =	ssyncset.done $0x0  }
0x127: {  	[sflag:s11] =	ssyncadd.s32 $0xFFFFA000  }
0x128: {  	[tilespmem:s2], [sflag:$0x1] =	stream.linear.gather [hbm4b:s23+s2], $0x6000, $0x38;
	[tilespmem:$0x18000] =	vst v63  }
0x129: {  	_ =	swait.ge [sflag:s18], $0x6000  }
0x12a: {  	[sflag:s18] =	ssyncset.done $0x0  }
0x12b: {  	[sflag:s18] =	ssyncadd.s32 $0xFFFFA000  }
0x12c: {  	[hbm4b:s22+s2] =	stream.linear.scatter [tilespmem:s10], [sflag:$0x7], $0x6000, $0x38;
	[tilespmem:$0x18000] =	vst v63  }
0x12d: {  	_ =	swait.ge [sflag:s9], $0x6000  }
0x12e: {  	[sflag:s9] =	ssyncset.done $0x0  }
0x12f: {  	[sflag:s9] =	ssyncadd.s32 $0xFFFFA000  }
0x130: {  	[tilespmem:s13], [sflag:$0x2] =	stream.linear.gather [hbm4b:s20+s2], $0x6000, $0x38;
	[tilespmem:$0x18000] =	vst v63  }
0x131: {  	_ =	swait.ge [sflag:s16], $0x6000  }
0x132: {  	[sflag:s16] =	ssyncset.done $0x0  }
0x133: {  	[sflag:s16] =	ssyncadd.s32 $0xFFFFA000  }
0x134: {  	[hbm4b:s19+s2] =	stream.linear.scatter [tilespmem:s6], [sflag:$0x8], $0x6000, $0x38;
	[tilespmem:$0x18000] =	vst v63  }
0x135: {  	_ =	swait.ge [sflag:s7], $0x6000  }
0x136: {  	[sflag:s7] =	ssyncset.done $0x0  }
0x137: {  	[sflag:s7] =	ssyncadd.s32 $0xFFFFA000  }
0x138: {  	[tilespmem:s10], [sflag:$0x3] =	stream.linear.gather [hbm4b:s15+s2], $0x6000, $0x38;
	[tilespmem:$0x18000] =	vst v63  }
0x139: {  	_ =	swait.ge [sflag:s21], $0x6000  }
0x13a: {  	[sflag:s21] =	ssyncset.done $0x0  }
0x13b: {  	[sflag:s21] =	ssyncadd.s32 $0xFFFFA000  }
0x13c: {  	[hbm4b:s14+s2] =	stream.linear.scatter [tilespmem:s2], [sflag:$0x5], $0x6000, $0x38;
	[tilespmem:$0x18000] =	vst v63  }
0x13d: {  	_ =	swait.ge [sflag:s5], $0x6000  }
0x13e: {  	[sflag:s5] =	ssyncset.done $0x0  }
0x13f: {  	[sflag:s5] =	ssyncadd.s32 $0xFFFFA000  }
0x140: {  	[tilespmem:s6], [sflag:$0x4] =	stream.linear.gather [hbm4b:s12+s2], $0x6000, $0x38;
	[tilespmem:$0x18000] =	vst v63  }
0x141: {  	_ =	swait.ge [sflag:s17], $0x6000  }
0x142: {  	[sflag:s17] =	ssyncset.done $0x0  }
0x143: {  	[sflag:s17] =	ssyncadd.s32 $0xFFFFA000  }
0x144: {  	[hbm4b:s8+s2] =	stream.linear.scatter [tilespmem:s13], [sflag:$0x6], $0x6000, $0x38;
	[tilespmem:$0x18000] =	vst v63  }
0x145: {  	_ =	swait.ge [sflag:s18], $0x6000  }
0x146: {  	[sflag:s18] =	ssyncset.done $0x0  }
0x147: {  	[sflag:s18] =	ssyncadd.s32 $0xFFFFA000  }
0x148: {  	[hbm4b:s4+s2] =	stream.linear.scatter [tilespmem:s10], [sflag:$0x7], $0x6000, $0x38;
	[tilespmem:$0x18000] =	vst v63  }
0x149: {  	_ =	swait.ge [sflag:s16], $0x6000  }
0x14a: {  	[sflag:s16] =	ssyncset.done $0x0  }
0x14b: {  	[sflag:s16] =	ssyncadd.s32 $0xFFFFA000  }
0x14c: {  	[hbm4b:s3+s2] =	stream.linear.scatter [tilespmem:s6], [sflag:$0x8], $0x6000, $0x38;
	[tilespmem:$0x18000] =	vst v63  }
0x14d: {  	_ =	swait.ge [sflag:s11], $0x6000  }
0x14e: {  	[sflag:s11] =	ssyncset.done $0x0  }
0x14f: {  	[sflag:s11] =	ssyncadd.s32 $0xFFFFA000  }
0x150: {  	_ =	swait.ge [sflag:s9], $0x6000  }
0x151: {  	[sflag:s9] =	ssyncset.done $0x0  }
0x152: {  	[sflag:s9] =	ssyncadd.s32 $0xFFFFA000  }
0x153: {  	_ =	swait.ge [sflag:s7], $0x6000  }
0x154: {  	s1 =	sld [smem:$0x7EB];
	_ =	sdelay $0x2  }
0x155: {  	p1 =	sne.s32 s1, $0x1  }
.Ltmp1:
0x156: {  	_ = 	snop;
	(pc) =	sbr.rel @!p1 .LBB2_3-.Ltmp1, $4  }
0x157: {  	[sflag:s7] =	ssyncset.done $0x0  }
0x158: {  	[sflag:s7] =	ssyncadd.s32 $0xFFFFA000  }
0x159: {  	p0 =	por $0x1, $0x1;
	_ =	swait.ge [sflag:s5], $0x6000  }
0x15a: {  	s1 =	sadd.s32 $0xFFFFFFFF, s1;
	s0 =	rddreg [dreg:$0x3];
	[sflag:s5] =	ssyncset.done $0x0  }
.LBB2_2:
0x15b: {  	[sflag:s5] =	ssyncadd.s32 $0xFFFFA000;
	s5 =	simm.s32 $0x6000  }
0x15c: {  	s6 =	smov.u32 s31;
	s31 =	smov.u32 s30;
	s30 =	smov.u32 s29  }
0x15d: {  	s29 =	smov.u32 s28;
	s28 =	smov.u32 s26;
	s26 =	smov.u32 s25  }
0x15e: {  	s25 =	smov.u32 s24;
	s24 =	smov.u32 s23;
	s23 =	smov.u32 s22  }
0x15f: {  	s22 =	smov.u32 s20;
	s20 =	smov.u32 s19;
	s19 =	smov.u32 s15  }
0x160: {  	s15 =	smov.u32 s14;
	s14 =	smov.u32 s12;
	s12 =	smov.u32 s8  }
0x161: {  	[tilespmem:s2], [sflag:$0x1] =	stream.linear.gather [hbm4b:s0+s2], $0x6000, $0x38;
	[tilespmem:$0x18000] =	vst v63  }
0x162: {  	s8 =	smov.u32 s4;
	s4 =	smov.u32 s3;
	s3 =	rddreg [dreg:$0x4]  }
0x163: {  	[tilespmem:s5], [sflag:$0x2] =	stream.linear.gather [hbm4b:s3+s2], $0x6000, $0x38;
	[tilespmem:$0x18000] =	vst v63  }
0x164: {  	s13 =	simm.s32 $0xC000;
	s0 =	rddreg [dreg:$0x5]  }
0x165: {  	[tilespmem:s13], [sflag:$0x3] =	stream.linear.gather [hbm4b:s0+s2], $0x6000, $0x38;
	[tilespmem:$0x18000] =	vst v63  }
0x166: {  	_ =	swait.ge [sflag:s21], $0x6000  }
0x167: {  	[sflag:s21] =	ssyncset.done $0x0  }
0x168: {  	s0 =	rddreg [dreg:$0x6];
	[sflag:s21] =	ssyncadd.s32 $0xFFFFA000  }
0x169: {  	[hbm4b:s0+s2] =	stream.linear.scatter [tilespmem:s2], [sflag:$0x5], $0x6000, $0x38;
	[tilespmem:$0x18000] =	vst v63  }
0x16a: {  	s10 =	simm.s32 $0x12000;
	s3 =	rddreg [dreg:$0x7]  }
0x16b: {  	[tilespmem:s10], [sflag:$0x4] =	stream.linear.gather [hbm4b:s3+s2], $0x6000, $0x38;
	[tilespmem:$0x18000] =	vst v63  }
0x16c: {  	_ =	swait.ge [sflag:s17], $0x6000  }
0x16d: {  	[sflag:s17] =	ssyncset.done $0x0  }
0x16e: {  	s13 =	simm.s32 $0x6000;
	s0 =	rddreg [dreg:$0x8];
	[sflag:s17] =	ssyncadd.s32 $0xFFFFA000  }
0x16f: {  	[hbm4b:s0+s2] =	stream.linear.scatter [tilespmem:s13], [sflag:$0x6], $0x6000, $0x38;
	[tilespmem:$0x18000] =	vst v63  }
0x170: {  	s10 =	simm.s32 $0xC000;
	_ =	swait.ge [sflag:s11], $0x6000  }
0x171: {  	s3 =	smov.u32 s4;
	s4 =	smov.u32 s8;
	[sflag:s11] =	ssyncset.done $0x0  }
0x172: {  	s8 =	smov.u32 s12;
	s0 =	rddreg [dreg:$0x9];
	[sflag:s11] =	ssyncadd.s32 $0xFFFFA000  }
0x173: {  	[tilespmem:s2], [sflag:$0x1] =	stream.linear.gather [hbm4b:s0+s2], $0x6000, $0x38;
	[tilespmem:$0x18000] =	vst v63  }
0x174: {  	s12 =	smov.u32 s14;
	s14 =	smov.u32 s15;
	_ =	swait.ge [sflag:s18], $0x6000  }
0x175: {  	s15 =	smov.u32 s19;
	s19 =	smov.u32 s20;
	[sflag:s18] =	ssyncset.done $0x0  }
0x176: {  	s20 =	smov.u32 s22;
	s0 =	rddreg [dreg:$0xa];
	[sflag:s18] =	ssyncadd.s32 $0xFFFFA000  }
0x177: {  	[hbm4b:s0+s2] =	stream.linear.scatter [tilespmem:s10], [sflag:$0x7], $0x6000, $0x38;
	[tilespmem:$0x18000] =	vst v63  }
0x178: {  	s22 =	smov.u32 s23;
	s23 =	smov.u32 s24;
	_ =	swait.ge [sflag:s9], $0x6000  }
0x179: {  	s24 =	smov.u32 s25;
	s25 =	smov.u32 s26;
	[sflag:s9] =	ssyncset.done $0x0  }
0x17a: {  	s26 =	smov.u32 s28;
	s0 =	rddreg [dreg:$0xb];
	[sflag:s9] =	ssyncadd.s32 $0xFFFFA000  }
0x17b: {  	[tilespmem:s13], [sflag:$0x2] =	stream.linear.gather [hbm4b:s0+s2], $0x6000, $0x38;
	[tilespmem:$0x18000] =	vst v63  }
0x17c: {  	s28 =	smov.u32 s29;
	s29 =	smov.u32 s30;
	_ =	swait.ge [sflag:s16], $0x6000  }
0x17d: {  	s30 =	smov.u32 s31;
	s31 =	smov.u32 s6;
	[sflag:s16] =	ssyncset.done $0x0  }
0x17e: {  	s6 =	simm.s32 $0x12000;
	s0 =	rddreg [dreg:$0xc];
	[sflag:s16] =	ssyncadd.s32 $0xFFFFA000  }
0x17f: {  	[hbm4b:s0+s2] =	stream.linear.scatter [tilespmem:s6], [sflag:$0x8], $0x6000, $0x38;
	[tilespmem:$0x18000] =	vst v63  }
0x180: {  	_ =	swait.ge [sflag:s7], $0x6000  }
0x181: {  	[sflag:s7] =	ssyncset.done $0x0  }
0x182: {  	s0 =	rddreg [dreg:$0xd];
	[sflag:s7] =	ssyncadd.s32 $0xFFFFA000  }
0x183: {  	[tilespmem:s10], [sflag:$0x3] =	stream.linear.gather [hbm4b:s0+s2], $0x6000, $0x38;
	[tilespmem:$0x18000] =	vst v63  }
0x184: {  	_ =	swait.ge [sflag:s21], $0x6000  }
0x185: {  	[sflag:s21] =	ssyncset.done $0x0  }
0x186: {  	s5 =	simm.s32 $0x8;
	s0 =	rddreg [dreg:$0xe];
	[sflag:s21] =	ssyncadd.s32 $0xFFFFA000  }
0x187: {  	[hbm4b:s0+s2] =	stream.linear.scatter [tilespmem:s2], [sflag:$0x5], $0x6000, $0x38;
	[tilespmem:$0x18000] =	vst v63  }
0x188: {  	_ =	swait.ge [sflag:s5], $0x6000  }
0x189: {  	[sflag:s5] =	ssyncset.done $0x0  }
0x18a: {  	s0 =	rddreg [dreg:$0xf];
	[sflag:s5] =	ssyncadd.s32 $0xFFFFA000  }
0x18b: {  	[tilespmem:s6], [sflag:$0x4] =	stream.linear.gather [hbm4b:s0+s2], $0x6000, $0x38;
	[tilespmem:$0x18000] =	vst v63  }
0x18c: {  	_ =	swait.ge [sflag:s17], $0x6000  }
0x18d: {  	[sflag:s17] =	ssyncset.done $0x0  }
0x18e: {  	s0 =	rddreg [dreg:$0x10];
	[sflag:s17] =	ssyncadd.s32 $0xFFFFA000  }
0x18f: {  	[hbm4b:s0+s2] =	stream.linear.scatter [tilespmem:s13], [sflag:$0x6], $0x6000, $0x38;
	[tilespmem:$0x18000] =	vst v63  }
0x190: {  	_ =	swait.ge [sflag:s11], $0x6000  }
0x191: {  	[sflag:s11] =	ssyncset.done $0x0  }
0x192: {  	s0 =	rddreg [dreg:$0x11];
	[sflag:s11] =	ssyncadd.s32 $0xFFFFA000  }
0x193: {  	[tilespmem:s2], [sflag:$0x1] =	stream.linear.gather [hbm4b:s0+s2], $0x6000, $0x38;
	[tilespmem:$0x18000] =	vst v63  }
0x194: {  	_ =	swait.ge [sflag:s18], $0x6000  }
0x195: {  	[sflag:s18] =	ssyncset.done $0x0  }
0x196: {  	s0 =	rddreg [dreg:$0x12];
	[sflag:s18] =	ssyncadd.s32 $0xFFFFA000  }
0x197: {  	[hbm4b:s0+s2] =	stream.linear.scatter [tilespmem:s10], [sflag:$0x7], $0x6000, $0x38;
	[tilespmem:$0x18000] =	vst v63  }
0x198: {  	_ =	swait.ge [sflag:s9], $0x6000  }
0x199: {  	[sflag:s9] =	ssyncset.done $0x0  }
0x19a: {  	s0 =	rddreg [dreg:$0x13];
	[sflag:s9] =	ssyncadd.s32 $0xFFFFA000  }
0x19b: {  	[tilespmem:s13], [sflag:$0x2] =	stream.linear.gather [hbm4b:s0+s2], $0x6000, $0x38;
	[tilespmem:$0x18000] =	vst v63  }
0x19c: {  	_ =	swait.ge [sflag:s16], $0x6000  }
0x19d: {  	[sflag:s16] =	ssyncset.done $0x0  }
0x19e: {  	s0 =	rddreg [dreg:$0x14];
	[sflag:s16] =	ssyncadd.s32 $0xFFFFA000  }
0x19f: {  	[hbm4b:s0+s2] =	stream.linear.scatter [tilespmem:s6], [sflag:$0x8], $0x6000, $0x38;
	[tilespmem:$0x18000] =	vst v63  }
0x1a0: {  	_ =	swait.ge [sflag:s7], $0x6000  }
0x1a1: {  	[sflag:s7] =	ssyncset.done $0x0  }
0x1a2: {  	s0 =	rddreg [dreg:$0x15];
	[sflag:s7] =	ssyncadd.s32 $0xFFFFA000  }
0x1a3: {  	[tilespmem:s10], [sflag:$0x3] =	stream.linear.gather [hbm4b:s0+s2], $0x6000, $0x38;
	[tilespmem:$0x18000] =	vst v63  }
0x1a4: {  	_ =	swait.ge [sflag:s21], $0x6000  }
0x1a5: {  	[sflag:s21] =	ssyncset.done $0x0  }
0x1a6: {  	s0 =	rddreg [dreg:$0x16];
	[sflag:s21] =	ssyncadd.s32 $0xFFFFA000  }
0x1a7: {  	[hbm4b:s0+s2] =	stream.linear.scatter [tilespmem:s2], [sflag:$0x5], $0x6000, $0x38;
	[tilespmem:$0x18000] =	vst v63  }
0x1a8: {  	_ =	swait.ge [sflag:s5], $0x6000  }
0x1a9: {  	[sflag:s5] =	ssyncset.done $0x0  }
0x1aa: {  	s0 =	rddreg [dreg:$0x17];
	[sflag:s5] =	ssyncadd.s32 $0xFFFFA000  }
0x1ab: {  	[tilespmem:s6], [sflag:$0x4] =	stream.linear.gather [hbm4b:s0+s2], $0x6000, $0x38;
	[tilespmem:$0x18000] =	vst v63  }
0x1ac: {  	_ =	swait.ge [sflag:s17], $0x6000  }
0x1ad: {  	[sflag:s17] =	ssyncset.done $0x0  }
0x1ae: {  	s0 =	rddreg [dreg:$0x18];
	[sflag:s17] =	ssyncadd.s32 $0xFFFFA000  }
0x1af: {  	[hbm4b:s0+s2] =	stream.linear.scatter [tilespmem:s13], [sflag:$0x6], $0x6000, $0x38;
	[tilespmem:$0x18000] =	vst v63  }
0x1b0: {  	_ =	swait.ge [sflag:s11], $0x6000  }
0x1b1: {  	[sflag:s11] =	ssyncset.done $0x0  }
0x1b2: {  	s0 =	rddreg [dreg:$0x19];
	[sflag:s11] =	ssyncadd.s32 $0xFFFFA000  }
0x1b3: {  	[tilespmem:s2], [sflag:$0x1] =	stream.linear.gather [hbm4b:s0+s2], $0x6000, $0x38;
	[tilespmem:$0x18000] =	vst v63  }
0x1b4: {  	_ =	swait.ge [sflag:s18], $0x6000  }
0x1b5: {  	[sflag:s18] =	ssyncset.done $0x0  }
0x1b6: {  	s0 =	rddreg [dreg:$0x1a];
	[sflag:s18] =	ssyncadd.s32 $0xFFFFA000  }
0x1b7: {  	[hbm4b:s0+s2] =	stream.linear.scatter [tilespmem:s10], [sflag:$0x7], $0x6000, $0x38;
	[tilespmem:$0x18000] =	vst v63  }
0x1b8: {  	_ =	swait.ge [sflag:s9], $0x6000  }
0x1b9: {  	[sflag:s9] =	ssyncset.done $0x0  }
0x1ba: {  	s0 =	rddreg [dreg:$0x1b];
	[sflag:s9] =	ssyncadd.s32 $0xFFFFA000  }
0x1bb: {  	[tilespmem:s13], [sflag:$0x2] =	stream.linear.gather [hbm4b:s0+s2], $0x6000, $0x38;
	[tilespmem:$0x18000] =	vst v63  }
0x1bc: {  	_ =	swait.ge [sflag:s16], $0x6000  }
0x1bd: {  	[sflag:s16] =	ssyncset.done $0x0  }
0x1be: {  	s0 =	rddreg [dreg:$0x1c];
	[sflag:s16] =	ssyncadd.s32 $0xFFFFA000  }
0x1bf: {  	[hbm4b:s0+s2] =	stream.linear.scatter [tilespmem:s6], [sflag:$0x8], $0x6000, $0x38;
	[tilespmem:$0x18000] =	vst v63  }
0x1c0: {  	_ =	swait.ge [sflag:s7], $0x6000  }
0x1c1: {  	[sflag:s7] =	ssyncset.done $0x0  }
0x1c2: {  	s0 =	rddreg [dreg:$0x1d];
	[sflag:s7] =	ssyncadd.s32 $0xFFFFA000  }
0x1c3: {  	[tilespmem:s10], [sflag:$0x3] =	stream.linear.gather [hbm4b:s0+s2], $0x6000, $0x38;
	[tilespmem:$0x18000] =	vst v63  }
0x1c4: {  	_ =	swait.ge [sflag:s21], $0x6000  }
0x1c5: {  	[sflag:s21] =	ssyncset.done $0x0  }
0x1c6: {  	s0 =	rddreg [dreg:$0x1e];
	[sflag:s21] =	ssyncadd.s32 $0xFFFFA000  }
0x1c7: {  	[hbm4b:s0+s2] =	stream.linear.scatter [tilespmem:s2], [sflag:$0x5], $0x6000, $0x38;
	[tilespmem:$0x18000] =	vst v63  }
0x1c8: {  	_ =	swait.ge [sflag:s5], $0x6000  }
0x1c9: {  	[sflag:s5] =	ssyncset.done $0x0  }
0x1ca: {  	s0 =	rddreg [dreg:$0x1f];
	[sflag:s5] =	ssyncadd.s32 $0xFFFFA000  }
0x1cb: {  	[tilespmem:s6], [sflag:$0x4] =	stream.linear.gather [hbm4b:s0+s2], $0x6000, $0x38;
	[tilespmem:$0x18000] =	vst v63  }
0x1cc: {  	_ =	swait.ge [sflag:s17], $0x6000  }
0x1cd: {  	s0 =	sld [smem:$0x7EC]  }
0x1ce: {  	[sflag:s17] =	ssyncset.done $0x0  }
0x1cf: {  	[sflag:s17] =	ssyncadd.s32 $0xFFFFA000  }
0x1d0: {  	[hbm4b:s0+s2] =	stream.linear.scatter [tilespmem:s13], [sflag:$0x6], $0x6000, $0x38;
	[tilespmem:$0x18000] =	vst v63  }
0x1d1: {  	_ =	swait.ge [sflag:s11], $0x6000  }
0x1d2: {  	s0 =	sld [smem:$0x7ED]  }
0x1d3: {  	[sflag:s11] =	ssyncset.done $0x0  }
0x1d4: {  	[sflag:s11] =	ssyncadd.s32 $0xFFFFA000  }
0x1d5: {  	[tilespmem:s2], [sflag:$0x1] =	stream.linear.gather [hbm4b:s0+s2], $0x6000, $0x38;
	[tilespmem:$0x18000] =	vst v63  }
0x1d6: {  	_ =	swait.ge [sflag:s18], $0x6000  }
0x1d7: {  	s0 =	sld [smem:$0x7EE]  }
0x1d8: {  	[sflag:s18] =	ssyncset.done $0x0  }
0x1d9: {  	[sflag:s18] =	ssyncadd.s32 $0xFFFFA000  }
0x1da: {  	[hbm4b:s0+s2] =	stream.linear.scatter [tilespmem:s10], [sflag:$0x7], $0x6000, $0x38;
	[tilespmem:$0x18000] =	vst v63  }
0x1db: {  	_ =	swait.ge [sflag:s9], $0x6000  }
0x1dc: {  	s0 =	sld [smem:$0x7EF]  }
0x1dd: {  	[sflag:s9] =	ssyncset.done $0x0  }
0x1de: {  	[sflag:s9] =	ssyncadd.s32 $0xFFFFA000  }
0x1df: {  	[tilespmem:s13], [sflag:$0x2] =	stream.linear.gather [hbm4b:s0+s2], $0x6000, $0x38;
	[tilespmem:$0x18000] =	vst v63  }
0x1e0: {  	_ =	swait.ge [sflag:s16], $0x6000  }
0x1e1: {  	s0 =	sld [smem:$0x7F0]  }
0x1e2: {  	[sflag:s16] =	ssyncset.done $0x0  }
0x1e3: {  	[sflag:s16] =	ssyncadd.s32 $0xFFFFA000  }
0x1e4: {  	[hbm4b:s0+s2] =	stream.linear.scatter [tilespmem:s6], [sflag:$0x8], $0x6000, $0x38;
	[tilespmem:$0x18000] =	vst v63  }
0x1e5: {  	_ =	swait.ge [sflag:s7], $0x6000  }
0x1e6: {  	s0 =	sld [smem:$0x7F1]  }
0x1e7: {  	[sflag:s7] =	ssyncset.done $0x0  }
0x1e8: {  	[sflag:s7] =	ssyncadd.s32 $0xFFFFA000  }
0x1e9: {  	[tilespmem:s10], [sflag:$0x3] =	stream.linear.gather [hbm4b:s0+s2], $0x6000, $0x38;
	[tilespmem:$0x18000] =	vst v63  }
0x1ea: {  	_ =	swait.ge [sflag:s21], $0x6000  }
0x1eb: {  	s0 =	sld [smem:$0x7F2]  }
0x1ec: {  	[sflag:s21] =	ssyncset.done $0x0  }
0x1ed: {  	[sflag:s21] =	ssyncadd.s32 $0xFFFFA000  }
0x1ee: {  	[hbm4b:s0+s2] =	stream.linear.scatter [tilespmem:s2], [sflag:$0x5], $0x6000, $0x38;
	[tilespmem:$0x18000] =	vst v63  }
0x1ef: {  	_ =	swait.ge [sflag:s5], $0x6000  }
0x1f0: {  	s0 =	sld [smem:$0x7F3]  }
0x1f1: {  	[sflag:s5] =	ssyncset.done $0x0  }
0x1f2: {  	[sflag:s5] =	ssyncadd.s32 $0xFFFFA000  }
0x1f3: {  	[tilespmem:s6], [sflag:$0x4] =	stream.linear.gather [hbm4b:s0+s2], $0x6000, $0x38;
	[tilespmem:$0x18000] =	vst v63  }
0x1f4: {  	_ =	swait.ge [sflag:s17], $0x6000  }
0x1f5: {  	s0 =	sld [smem:$0x7F4]  }
0x1f6: {  	[sflag:s17] =	ssyncset.done $0x0  }
0x1f7: {  	[sflag:s17] =	ssyncadd.s32 $0xFFFFA000  }
0x1f8: {  	[hbm4b:s0+s2] =	stream.linear.scatter [tilespmem:s13], [sflag:$0x6], $0x6000, $0x38;
	[tilespmem:$0x18000] =	vst v63  }
0x1f9: {  	_ =	swait.ge [sflag:s11], $0x6000  }
0x1fa: {  	s0 =	sld [smem:$0x7F5]  }
0x1fb: {  	[sflag:s11] =	ssyncset.done $0x0  }
0x1fc: {  	[sflag:s11] =	ssyncadd.s32 $0xFFFFA000  }
0x1fd: {  	[tilespmem:s2], [sflag:$0x1] =	stream.linear.gather [hbm4b:s0+s2], $0x6000, $0x38;
	[tilespmem:$0x18000] =	vst v63  }
0x1fe: {  	_ =	swait.ge [sflag:s18], $0x6000  }
0x1ff: {  	s0 =	sld [smem:$0x7F6]  }
0x200: {  	[sflag:s18] =	ssyncset.done $0x0  }
0x201: {  	[sflag:s18] =	ssyncadd.s32 $0xFFFFA000  }
0x202: {  	[hbm4b:s0+s2] =	stream.linear.scatter [tilespmem:s10], [sflag:$0x7], $0x6000, $0x38;
	[tilespmem:$0x18000] =	vst v63  }
0x203: {  	_ =	swait.ge [sflag:s9], $0x6000  }
0x204: {  	s0 =	sld [smem:$0x7F7]  }
0x205: {  	[sflag:s9] =	ssyncset.done $0x0  }
0x206: {  	[sflag:s9] =	ssyncadd.s32 $0xFFFFA000  }
0x207: {  	[tilespmem:s13], [sflag:$0x2] =	stream.linear.gather [hbm4b:s0+s2], $0x6000, $0x38;
	[tilespmem:$0x18000] =	vst v63  }
0x208: {  	_ =	swait.ge [sflag:s16], $0x6000  }
0x209: {  	s0 =	sld [smem:$0x7F8]  }
0x20a: {  	[sflag:s16] =	ssyncset.done $0x0  }
0x20b: {  	[sflag:s16] =	ssyncadd.s32 $0xFFFFA000  }
0x20c: {  	[hbm4b:s0+s2] =	stream.linear.scatter [tilespmem:s6], [sflag:$0x8], $0x6000, $0x38;
	[tilespmem:$0x18000] =	vst v63  }
0x20d: {  	_ =	swait.ge [sflag:s7], $0x6000  }
0x20e: {  	s0 =	sld [smem:$0x7F9]  }
0x20f: {  	[sflag:s7] =	ssyncset.done $0x0  }
0x210: {  	[sflag:s7] =	ssyncadd.s32 $0xFFFFA000  }
0x211: {  	[tilespmem:s10], [sflag:$0x3] =	stream.linear.gather [hbm4b:s0+s2], $0x6000, $0x38;
	[tilespmem:$0x18000] =	vst v63  }
0x212: {  	_ =	swait.ge [sflag:s21], $0x6000  }
0x213: {  	s0 =	sld [smem:$0x7FA]  }
0x214: {  	[sflag:s21] =	ssyncset.done $0x0  }
0x215: {  	[sflag:s21] =	ssyncadd.s32 $0xFFFFA000  }
0x216: {  	[hbm4b:s0+s2] =	stream.linear.scatter [tilespmem:s2], [sflag:$0x5], $0x6000, $0x38;
	[tilespmem:$0x18000] =	vst v63  }
0x217: {  	_ =	swait.ge [sflag:s5], $0x6000  }
0x218: {  	s0 =	sld [smem:$0x7FB]  }
0x219: {  	[sflag:s5] =	ssyncset.done $0x0  }
0x21a: {  	[sflag:s5] =	ssyncadd.s32 $0xFFFFA000  }
0x21b: {  	[tilespmem:s6], [sflag:$0x4] =	stream.linear.gather [hbm4b:s0+s2], $0x6000, $0x38;
	[tilespmem:$0x18000] =	vst v63  }
0x21c: {  	_ =	swait.ge [sflag:s17], $0x6000  }
0x21d: {  	s0 =	sld [smem:$0x7FC]  }
0x21e: {  	[sflag:s17] =	ssyncset.done $0x0  }
0x21f: {  	[sflag:s17] =	ssyncadd.s32 $0xFFFFA000  }
0x220: {  	[hbm4b:s0+s2] =	stream.linear.scatter [tilespmem:s13], [sflag:$0x6], $0x6000, $0x38;
	[tilespmem:$0x18000] =	vst v63  }
0x221: {  	_ =	swait.ge [sflag:s11], $0x6000  }
0x222: {  	s0 =	sld [smem:$0x7FD]  }
0x223: {  	[sflag:s11] =	ssyncset.done $0x0  }
0x224: {  	[sflag:s11] =	ssyncadd.s32 $0xFFFFA000  }
0x225: {  	[tilespmem:s2], [sflag:$0x1] =	stream.linear.gather [hbm4b:s0+s2], $0x6000, $0x38;
	[tilespmem:$0x18000] =	vst v63  }
0x226: {  	_ =	swait.ge [sflag:s18], $0x6000  }
0x227: {  	[sflag:s18] =	ssyncset.done $0x0  }
0x228: {  	[sflag:s18] =	ssyncadd.s32 $0xFFFFA000  }
0x229: {  	[hbm4b:s31+s2] =	stream.linear.scatter [tilespmem:s10], [sflag:$0x7], $0x6000, $0x38;
	[tilespmem:$0x18000] =	vst v63  }
0x22a: {  	_ =	swait.ge [sflag:s9], $0x6000  }
0x22b: {  	[sflag:s9] =	ssyncset.done $0x0  }
0x22c: {  	[sflag:s9] =	ssyncadd.s32 $0xFFFFA000  }
0x22d: {  	[tilespmem:s13], [sflag:$0x2] =	stream.linear.gather [hbm4b:s30+s2], $0x6000, $0x38;
	[tilespmem:$0x18000] =	vst v63  }
0x22e: {  	_ =	swait.ge [sflag:s16], $0x6000  }
0x22f: {  	[sflag:s16] =	ssyncset.done $0x0  }
0x230: {  	[sflag:s16] =	ssyncadd.s32 $0xFFFFA000  }
0x231: {  	[hbm4b:s29+s2] =	stream.linear.scatter [tilespmem:s6], [sflag:$0x8], $0x6000, $0x38;
	[tilespmem:$0x18000] =	vst v63  }
0x232: {  	_ =	swait.ge [sflag:s7], $0x6000  }
0x233: {  	[sflag:s7] =	ssyncset.done $0x0  }
0x234: {  	[sflag:s7] =	ssyncadd.s32 $0xFFFFA000  }
0x235: {  	[tilespmem:s10], [sflag:$0x3] =	stream.linear.gather [hbm4b:s28+s2], $0x6000, $0x38;
	[tilespmem:$0x18000] =	vst v63  }
0x236: {  	_ =	swait.ge [sflag:s21], $0x6000  }
0x237: {  	[sflag:s21] =	ssyncset.done $0x0  }
0x238: {  	[sflag:s21] =	ssyncadd.s32 $0xFFFFA000  }
0x239: {  	[hbm4b:s26+s2] =	stream.linear.scatter [tilespmem:s2], [sflag:$0x5], $0x6000, $0x38;
	[tilespmem:$0x18000] =	vst v63  }
0x23a: {  	_ =	swait.ge [sflag:s5], $0x6000  }
0x23b: {  	[sflag:s5] =	ssyncset.done $0x0  }
0x23c: {  	[sflag:s5] =	ssyncadd.s32 $0xFFFFA000  }
0x23d: {  	[tilespmem:s6], [sflag:$0x4] =	stream.linear.gather [hbm4b:s25+s2], $0x6000, $0x38;
	[tilespmem:$0x18000] =	vst v63  }
0x23e: {  	_ =	swait.ge [sflag:s17], $0x6000  }
0x23f: {  	[sflag:s17] =	ssyncset.done $0x0  }
0x240: {  	[sflag:s17] =	ssyncadd.s32 $0xFFFFA000  }
0x241: {  	[hbm4b:s24+s2] =	stream.linear.scatter [tilespmem:s13], [sflag:$0x6], $0x6000, $0x38;
	[tilespmem:$0x18000] =	vst v63  }
0x242: {  	_ =	swait.ge [sflag:s11], $0x6000  }
0x243: {  	[sflag:s11] =	ssyncset.done $0x0  }
0x244: {  	[sflag:s11] =	ssyncadd.s32 $0xFFFFA000  }
0x245: {  	[tilespmem:s2], [sflag:$0x1] =	stream.linear.gather [hbm4b:s23+s2], $0x6000, $0x38;
	[tilespmem:$0x18000] =	vst v63  }
0x246: {  	_ =	swait.ge [sflag:s18], $0x6000  }
0x247: {  	[sflag:s18] =	ssyncset.done $0x0  }
0x248: {  	[sflag:s18] =	ssyncadd.s32 $0xFFFFA000  }
0x249: {  	[hbm4b:s22+s2] =	stream.linear.scatter [tilespmem:s10], [sflag:$0x7], $0x6000, $0x38;
	[tilespmem:$0x18000] =	vst v63  }
0x24a: {  	_ =	swait.ge [sflag:s9], $0x6000  }
0x24b: {  	[sflag:s9] =	ssyncset.done $0x0  }
0x24c: {  	[sflag:s9] =	ssyncadd.s32 $0xFFFFA000  }
0x24d: {  	[tilespmem:s13], [sflag:$0x2] =	stream.linear.gather [hbm4b:s20+s2], $0x6000, $0x38;
	[tilespmem:$0x18000] =	vst v63  }
0x24e: {  	_ =	swait.ge [sflag:s16], $0x6000  }
0x24f: {  	[sflag:s16] =	ssyncset.done $0x0  }
0x250: {  	[sflag:s16] =	ssyncadd.s32 $0xFFFFA000  }
0x251: {  	[hbm4b:s19+s2] =	stream.linear.scatter [tilespmem:s6], [sflag:$0x8], $0x6000, $0x38;
	[tilespmem:$0x18000] =	vst v63  }
0x252: {  	_ =	swait.ge [sflag:s7], $0x6000  }
0x253: {  	[sflag:s7] =	ssyncset.done $0x0  }
0x254: {  	[sflag:s7] =	ssyncadd.s32 $0xFFFFA000  }
0x255: {  	[tilespmem:s10], [sflag:$0x3] =	stream.linear.gather [hbm4b:s15+s2], $0x6000, $0x38;
	[tilespmem:$0x18000] =	vst v63  }
0x256: {  	_ =	swait.ge [sflag:s21], $0x6000  }
0x257: {  	[sflag:s21] =	ssyncset.done $0x0  }
0x258: {  	[sflag:s21] =	ssyncadd.s32 $0xFFFFA000  }
0x259: {  	[hbm4b:s14+s2] =	stream.linear.scatter [tilespmem:s2], [sflag:$0x5], $0x6000, $0x38;
	[tilespmem:$0x18000] =	vst v63  }
0x25a: {  	_ =	swait.ge [sflag:s5], $0x6000  }
0x25b: {  	[sflag:s5] =	ssyncset.done $0x0  }
0x25c: {  	[sflag:s5] =	ssyncadd.s32 $0xFFFFA000  }
0x25d: {  	[tilespmem:s6], [sflag:$0x4] =	stream.linear.gather [hbm4b:s12+s2], $0x6000, $0x38;
	[tilespmem:$0x18000] =	vst v63  }
0x25e: {  	_ =	swait.ge [sflag:s17], $0x6000  }
0x25f: {  	[sflag:s17] =	ssyncset.done $0x0  }
0x260: {  	[sflag:s17] =	ssyncadd.s32 $0xFFFFA000  }
0x261: {  	[hbm4b:s8+s2] =	stream.linear.scatter [tilespmem:s13], [sflag:$0x6], $0x6000, $0x38;
	[tilespmem:$0x18000] =	vst v63  }
0x262: {  	_ =	swait.ge [sflag:s18], $0x6000  }
0x263: {  	[sflag:s18] =	ssyncset.done $0x0  }
0x264: {  	[sflag:s18] =	ssyncadd.s32 $0xFFFFA000  }
0x265: {  	[hbm4b:s4+s2] =	stream.linear.scatter [tilespmem:s10], [sflag:$0x7], $0x6000, $0x38;
	[tilespmem:$0x18000] =	vst v63  }
0x266: {  	_ =	swait.ge [sflag:s16], $0x6000  }
0x267: {  	[sflag:s16] =	ssyncset.done $0x0  }
0x268: {  	[sflag:s16] =	ssyncadd.s32 $0xFFFFA000  }
0x269: {  	[hbm4b:s3+s2] =	stream.linear.scatter [tilespmem:s6], [sflag:$0x8], $0x6000, $0x38;
	[tilespmem:$0x18000] =	vst v63  }
0x26a: {  	_ =	swait.ge [sflag:s11], $0x6000  }
0x26b: {  	[sflag:s11] =	ssyncset.done $0x0  }
0x26c: {  	[sflag:s11] =	ssyncadd.s32 $0xFFFFA000  }
0x26d: {  	_ =	swait.ge [sflag:s9], $0x6000  }
0x26e: {  	[sflag:s9] =	ssyncset.done $0x0  }
0x26f: {  	p1 =	sne.s32 s1, $0x1;
	[sflag:s9] =	ssyncadd.s32 $0xFFFFA000  }
.Ltmp2:
0x270: {  	_ =	swait.ge [sflag:s7], $0x6000;
	(pc) =	sbr.rel @p1 .LBB2_2-.Ltmp2, $4  }
0x271: {  	[sflag:s7] =	ssyncset.done $0x0  }
0x272: {  	[sflag:s7] =	ssyncadd.s32 $0xFFFFA000  }
0x273: {  	_ =	swait.ge [sflag:s5], $0x6000  }
0x274: {  	s1 =	sadd.s32 $0xFFFFFFFF, s1;
	s0 =	rddreg [dreg:$0x3];
	[sflag:s5] =	ssyncset.done $0x0  }
.LBB2_3:
0x275: {  	[sflag:s5] =	ssyncadd.s32 @p0 $0xFFFFA000  }
0x276: {  	[tilespmem:s2], [sflag:$0x1] =	stream.linear.gather [hbm4b:s0+s2], $0x6000, $0x38;
	[tilespmem:$0x18000] =	vst v63  }
0x277: {  	s1 =	rddreg [dreg:$0x4]  }
0x278: {  	[tilespmem:s13], [sflag:$0x2] =	stream.linear.gather [hbm4b:s1+s2], $0x6000, $0x38;
	[tilespmem:$0x18000] =	vst v63  }
0x279: {  	s0 =	rddreg [dreg:$0x5]  }
0x27a: {  	[tilespmem:s10], [sflag:$0x3] =	stream.linear.gather [hbm4b:s0+s2], $0x6000, $0x38;
	[tilespmem:$0x18000] =	vst v63  }
0x27b: {  	_ =	swait.ge [sflag:s21], $0x6000  }
0x27c: {  	[sflag:s21] =	ssyncset.done $0x0  }
0x27d: {  	s0 =	rddreg [dreg:$0x6];
	[sflag:s21] =	ssyncadd.s32 $0xFFFFA000  }
0x27e: {  	[hbm4b:s0+s2] =	stream.linear.scatter [tilespmem:s2], [sflag:$0x5], $0x6000, $0x38;
	[tilespmem:$0x18000] =	vst v63  }
0x27f: {  	s1 =	rddreg [dreg:$0x7]  }
0x280: {  	[tilespmem:s6], [sflag:$0x4] =	stream.linear.gather [hbm4b:s1+s2], $0x6000, $0x38;
	[tilespmem:$0x18000] =	vst v63  }
0x281: {  	_ =	swait.ge [sflag:s17], $0x6000  }
0x282: {  	[sflag:s17] =	ssyncset.done $0x0  }
0x283: {  	s1 =	rddreg [dreg:$0x8];
	[sflag:s17] =	ssyncadd.s32 $0xFFFFA000  }
0x284: {  	[hbm4b:s1+s2] =	stream.linear.scatter [tilespmem:s13], [sflag:$0x6], $0x6000, $0x38;
	[tilespmem:$0x18000] =	vst v63  }
0x285: {  	_ =	swait.ge [sflag:s11], $0x6000  }
0x286: {  	[sflag:s11] =	ssyncset.done $0x0  }
0x287: {  	s1 =	rddreg [dreg:$0x9];
	[sflag:s11] =	ssyncadd.s32 $0xFFFFA000  }
0x288: {  	[tilespmem:s2], [sflag:$0x1] =	stream.linear.gather [hbm4b:s1+s2], $0x6000, $0x38;
	[tilespmem:$0x18000] =	vst v63  }
0x289: {  	_ =	swait.ge [sflag:s18], $0x6000  }
0x28a: {  	[sflag:s18] =	ssyncset.done $0x0  }
0x28b: {  	s1 =	rddreg [dreg:$0xa];
	[sflag:s18] =	ssyncadd.s32 $0xFFFFA000  }
0x28c: {  	[hbm4b:s1+s2] =	stream.linear.scatter [tilespmem:s10], [sflag:$0x7], $0x6000, $0x38;
	[tilespmem:$0x18000] =	vst v63  }
0x28d: {  	_ =	swait.ge [sflag:s9], $0x6000  }
0x28e: {  	[sflag:s9] =	ssyncset.done $0x0  }
0x28f: {  	s1 =	rddreg [dreg:$0xb];
	[sflag:s9] =	ssyncadd.s32 $0xFFFFA000  }
0x290: {  	[tilespmem:s13], [sflag:$0x2] =	stream.linear.gather [hbm4b:s1+s2], $0x6000, $0x38;
	[tilespmem:$0x18000] =	vst v63  }
0x291: {  	_ =	swait.ge [sflag:s16], $0x6000  }
0x292: {  	[sflag:s16] =	ssyncset.done $0x0  }
0x293: {  	s1 =	rddreg [dreg:$0xc];
	[sflag:s16] =	ssyncadd.s32 $0xFFFFA000  }
0x294: {  	[hbm4b:s1+s2] =	stream.linear.scatter [tilespmem:s6], [sflag:$0x8], $0x6000, $0x38;
	[tilespmem:$0x18000] =	vst v63  }
0x295: {  	_ =	swait.ge [sflag:s7], $0x6000  }
0x296: {  	[sflag:s7] =	ssyncset.done $0x0  }
0x297: {  	s1 =	rddreg [dreg:$0xd];
	[sflag:s7] =	ssyncadd.s32 $0xFFFFA000  }
0x298: {  	[tilespmem:s10], [sflag:$0x3] =	stream.linear.gather [hbm4b:s1+s2], $0x6000, $0x38;
	[tilespmem:$0x18000] =	vst v63  }
0x299: {  	_ =	swait.ge [sflag:s21], $0x6000  }
0x29a: {  	[sflag:s21] =	ssyncset.done $0x0  }
0x29b: {  	s1 =	rddreg [dreg:$0xe];
	[sflag:s21] =	ssyncadd.s32 $0xFFFFA000  }
0x29c: {  	[hbm4b:s1+s2] =	stream.linear.scatter [tilespmem:s2], [sflag:$0x5], $0x6000, $0x38;
	[tilespmem:$0x18000] =	vst v63  }
0x29d: {  	_ =	swait.ge [sflag:s5], $0x6000  }
0x29e: {  	[sflag:s5] =	ssyncset.done $0x0  }
0x29f: {  	s1 =	rddreg [dreg:$0xf];
	[sflag:s5] =	ssyncadd.s32 $0xFFFFA000  }
0x2a0: {  	[tilespmem:s6], [sflag:$0x4] =	stream.linear.gather [hbm4b:s1+s2], $0x6000, $0x38;
	[tilespmem:$0x18000] =	vst v63  }
0x2a1: {  	_ =	swait.ge [sflag:s17], $0x6000  }
0x2a2: {  	[sflag:s17] =	ssyncset.done $0x0  }
0x2a3: {  	s1 =	rddreg [dreg:$0x10];
	[sflag:s17] =	ssyncadd.s32 $0xFFFFA000  }
0x2a4: {  	[hbm4b:s1+s2] =	stream.linear.scatter [tilespmem:s13], [sflag:$0x6], $0x6000, $0x38;
	[tilespmem:$0x18000] =	vst v63  }
0x2a5: {  	_ =	swait.ge [sflag:s11], $0x6000  }
0x2a6: {  	[sflag:s11] =	ssyncset.done $0x0  }
0x2a7: {  	s1 =	rddreg [dreg:$0x11];
	[sflag:s11] =	ssyncadd.s32 $0xFFFFA000  }
0x2a8: {  	[tilespmem:s2], [sflag:$0x1] =	stream.linear.gather [hbm4b:s1+s2], $0x6000, $0x38;
	[tilespmem:$0x18000] =	vst v63  }
0x2a9: {  	_ =	swait.ge [sflag:s18], $0x6000  }
0x2aa: {  	[sflag:s18] =	ssyncset.done $0x0  }
0x2ab: {  	s1 =	rddreg [dreg:$0x12];
	[sflag:s18] =	ssyncadd.s32 $0xFFFFA000  }
0x2ac: {  	[hbm4b:s1+s2] =	stream.linear.scatter [tilespmem:s10], [sflag:$0x7], $0x6000, $0x38;
	[tilespmem:$0x18000] =	vst v63  }
0x2ad: {  	_ =	swait.ge [sflag:s9], $0x6000  }
0x2ae: {  	[sflag:s9] =	ssyncset.done $0x0  }
0x2af: {  	s1 =	rddreg [dreg:$0x13];
	[sflag:s9] =	ssyncadd.s32 $0xFFFFA000  }
0x2b0: {  	[tilespmem:s13], [sflag:$0x2] =	stream.linear.gather [hbm4b:s1+s2], $0x6000, $0x38;
	[tilespmem:$0x18000] =	vst v63  }
0x2b1: {  	_ =	swait.ge [sflag:s16], $0x6000  }
0x2b2: {  	[sflag:s16] =	ssyncset.done $0x0  }
0x2b3: {  	s1 =	rddreg [dreg:$0x14];
	[sflag:s16] =	ssyncadd.s32 $0xFFFFA000  }
0x2b4: {  	[hbm4b:s1+s2] =	stream.linear.scatter [tilespmem:s6], [sflag:$0x8], $0x6000, $0x38;
	[tilespmem:$0x18000] =	vst v63  }
0x2b5: {  	_ =	swait.ge [sflag:s7], $0x6000  }
0x2b6: {  	[sflag:s7] =	ssyncset.done $0x0  }
0x2b7: {  	s1 =	rddreg [dreg:$0x15];
	[sflag:s7] =	ssyncadd.s32 $0xFFFFA000  }
0x2b8: {  	[tilespmem:s10], [sflag:$0x3] =	stream.linear.gather [hbm4b:s1+s2], $0x6000, $0x38;
	[tilespmem:$0x18000] =	vst v63  }
0x2b9: {  	_ =	swait.ge [sflag:s21], $0x6000  }
0x2ba: {  	[sflag:s21] =	ssyncset.done $0x0  }
0x2bb: {  	s1 =	rddreg [dreg:$0x16];
	[sflag:s21] =	ssyncadd.s32 $0xFFFFA000  }
0x2bc: {  	[hbm4b:s1+s2] =	stream.linear.scatter [tilespmem:s2], [sflag:$0x5], $0x6000, $0x38;
	[tilespmem:$0x18000] =	vst v63  }
0x2bd: {  	_ =	swait.ge [sflag:s5], $0x6000  }
0x2be: {  	[sflag:s5] =	ssyncset.done $0x0  }
0x2bf: {  	s1 =	rddreg [dreg:$0x17];
	[sflag:s5] =	ssyncadd.s32 $0xFFFFA000  }
0x2c0: {  	[tilespmem:s6], [sflag:$0x4] =	stream.linear.gather [hbm4b:s1+s2], $0x6000, $0x38;
	[tilespmem:$0x18000] =	vst v63  }
0x2c1: {  	_ =	swait.ge [sflag:s17], $0x6000  }
0x2c2: {  	[sflag:s17] =	ssyncset.done $0x0  }
0x2c3: {  	s1 =	rddreg [dreg:$0x18];
	[sflag:s17] =	ssyncadd.s32 $0xFFFFA000  }
0x2c4: {  	[hbm4b:s1+s2] =	stream.linear.scatter [tilespmem:s13], [sflag:$0x6], $0x6000, $0x38;
	[tilespmem:$0x18000] =	vst v63  }
0x2c5: {  	_ =	swait.ge [sflag:s11], $0x6000  }
0x2c6: {  	[sflag:s11] =	ssyncset.done $0x0  }
0x2c7: {  	s1 =	rddreg [dreg:$0x19];
	[sflag:s11] =	ssyncadd.s32 $0xFFFFA000  }
0x2c8: {  	[tilespmem:s2], [sflag:$0x1] =	stream.linear.gather [hbm4b:s1+s2], $0x6000, $0x38;
	[tilespmem:$0x18000] =	vst v63  }
0x2c9: {  	_ =	swait.ge [sflag:s18], $0x6000  }
0x2ca: {  	[sflag:s18] =	ssyncset.done $0x0  }
0x2cb: {  	s1 =	rddreg [dreg:$0x1a];
	[sflag:s18] =	ssyncadd.s32 $0xFFFFA000  }
0x2cc: {  	[hbm4b:s1+s2] =	stream.linear.scatter [tilespmem:s10], [sflag:$0x7], $0x6000, $0x38;
	[tilespmem:$0x18000] =	vst v63  }
0x2cd: {  	_ =	swait.ge [sflag:s9], $0x6000  }
0x2ce: {  	[sflag:s9] =	ssyncset.done $0x0  }
0x2cf: {  	s1 =	rddreg [dreg:$0x1b];
	[sflag:s9] =	ssyncadd.s32 $0xFFFFA000  }
0x2d0: {  	[tilespmem:s13], [sflag:$0x2] =	stream.linear.gather [hbm4b:s1+s2], $0x6000, $0x38;
	[tilespmem:$0x18000] =	vst v63  }
0x2d1: {  	_ =	swait.ge [sflag:s16], $0x6000  }
0x2d2: {  	[sflag:s16] =	ssyncset.done $0x0  }
0x2d3: {  	s1 =	rddreg [dreg:$0x1c];
	[sflag:s16] =	ssyncadd.s32 $0xFFFFA000  }
0x2d4: {  	[hbm4b:s1+s2] =	stream.linear.scatter [tilespmem:s6], [sflag:$0x8], $0x6000, $0x38;
	[tilespmem:$0x18000] =	vst v63  }
0x2d5: {  	_ =	swait.ge [sflag:s7], $0x6000  }
0x2d6: {  	[sflag:s7] =	ssyncset.done $0x0  }
0x2d7: {  	s1 =	rddreg [dreg:$0x1d];
	[sflag:s7] =	ssyncadd.s32 $0xFFFFA000  }
0x2d8: {  	[tilespmem:s10], [sflag:$0x3] =	stream.linear.gather [hbm4b:s1+s2], $0x6000, $0x38;
	[tilespmem:$0x18000] =	vst v63  }
0x2d9: {  	_ =	swait.ge [sflag:s21], $0x6000  }
0x2da: {  	[sflag:s21] =	ssyncset.done $0x0  }
0x2db: {  	s1 =	rddreg [dreg:$0x1e];
	[sflag:s21] =	ssyncadd.s32 $0xFFFFA000  }
0x2dc: {  	[hbm4b:s1+s2] =	stream.linear.scatter [tilespmem:s2], [sflag:$0x5], $0x6000, $0x38;
	[tilespmem:$0x18000] =	vst v63  }
0x2dd: {  	_ =	swait.ge [sflag:s5], $0x6000  }
0x2de: {  	[sflag:s5] =	ssyncset.done $0x0  }
0x2df: {  	s1 =	rddreg [dreg:$0x1f];
	[sflag:s5] =	ssyncadd.s32 $0xFFFFA000  }
0x2e0: {  	[tilespmem:s6], [sflag:$0x4] =	stream.linear.gather [hbm4b:s1+s2], $0x6000, $0x38;
	[tilespmem:$0x18000] =	vst v63  }
0x2e1: {  	_ =	swait.ge [sflag:s17], $0x6000  }
0x2e2: {  	s1 =	sld [smem:$0x7EC]  }
0x2e3: {  	[sflag:s17] =	ssyncset.done $0x0  }
0x2e4: {  	[sflag:s17] =	ssyncadd.s32 $0xFFFFA000  }
0x2e5: {  	[hbm4b:s1+s2] =	stream.linear.scatter [tilespmem:s13], [sflag:$0x6], $0x6000, $0x38;
	[tilespmem:$0x18000] =	vst v63  }
0x2e6: {  	_ =	swait.ge [sflag:s11], $0x6000  }
0x2e7: {  	s1 =	sld [smem:$0x7ED]  }
0x2e8: {  	[sflag:s11] =	ssyncset.done $0x0  }
0x2e9: {  	[sflag:s11] =	ssyncadd.s32 $0xFFFFA000  }
0x2ea: {  	[tilespmem:s2], [sflag:$0x1] =	stream.linear.gather [hbm4b:s1+s2], $0x6000, $0x38;
	[tilespmem:$0x18000] =	vst v63  }
0x2eb: {  	_ =	swait.ge [sflag:s18], $0x6000  }
0x2ec: {  	s1 =	sld [smem:$0x7EE]  }
0x2ed: {  	[sflag:s18] =	ssyncset.done $0x0  }
0x2ee: {  	[sflag:s18] =	ssyncadd.s32 $0xFFFFA000  }
0x2ef: {  	[hbm4b:s1+s2] =	stream.linear.scatter [tilespmem:s10], [sflag:$0x7], $0x6000, $0x38;
	[tilespmem:$0x18000] =	vst v63  }
0x2f0: {  	_ =	swait.ge [sflag:s9], $0x6000  }
0x2f1: {  	s1 =	sld [smem:$0x7EF]  }
0x2f2: {  	[sflag:s9] =	ssyncset.done $0x0  }
0x2f3: {  	[sflag:s9] =	ssyncadd.s32 $0xFFFFA000  }
0x2f4: {  	[tilespmem:s13], [sflag:$0x2] =	stream.linear.gather [hbm4b:s1+s2], $0x6000, $0x38;
	[tilespmem:$0x18000] =	vst v63  }
0x2f5: {  	_ =	swait.ge [sflag:s16], $0x6000  }
0x2f6: {  	s1 =	sld [smem:$0x7F0]  }
0x2f7: {  	[sflag:s16] =	ssyncset.done $0x0  }
0x2f8: {  	[sflag:s16] =	ssyncadd.s32 $0xFFFFA000  }
0x2f9: {  	[hbm4b:s1+s2] =	stream.linear.scatter [tilespmem:s6], [sflag:$0x8], $0x6000, $0x38;
	[tilespmem:$0x18000] =	vst v63  }
0x2fa: {  	_ =	swait.ge [sflag:s7], $0x6000  }
0x2fb: {  	s1 =	sld [smem:$0x7F1]  }
0x2fc: {  	[sflag:s7] =	ssyncset.done $0x0  }
0x2fd: {  	[sflag:s7] =	ssyncadd.s32 $0xFFFFA000  }
0x2fe: {  	[tilespmem:s10], [sflag:$0x3] =	stream.linear.gather [hbm4b:s1+s2], $0x6000, $0x38;
	[tilespmem:$0x18000] =	vst v63  }
0x2ff: {  	_ =	swait.ge [sflag:s21], $0x6000  }
0x300: {  	s1 =	sld [smem:$0x7F2]  }
0x301: {  	[sflag:s21] =	ssyncset.done $0x0  }
0x302: {  	[sflag:s21] =	ssyncadd.s32 $0xFFFFA000  }
0x303: {  	[hbm4b:s1+s2] =	stream.linear.scatter [tilespmem:s2], [sflag:$0x5], $0x6000, $0x38;
	[tilespmem:$0x18000] =	vst v63  }
0x304: {  	_ =	swait.ge [sflag:s5], $0x6000  }
0x305: {  	s1 =	sld [smem:$0x7F3]  }
0x306: {  	[sflag:s5] =	ssyncset.done $0x0  }
0x307: {  	[sflag:s5] =	ssyncadd.s32 $0xFFFFA000  }
0x308: {  	[tilespmem:s6], [sflag:$0x4] =	stream.linear.gather [hbm4b:s1+s2], $0x6000, $0x38;
	[tilespmem:$0x18000] =	vst v63  }
0x309: {  	_ =	swait.ge [sflag:s17], $0x6000  }
0x30a: {  	s1 =	sld [smem:$0x7F4]  }
0x30b: {  	[sflag:s17] =	ssyncset.done $0x0  }
0x30c: {  	[sflag:s17] =	ssyncadd.s32 $0xFFFFA000  }
0x30d: {  	[hbm4b:s1+s2] =	stream.linear.scatter [tilespmem:s13], [sflag:$0x6], $0x6000, $0x38;
	[tilespmem:$0x18000] =	vst v63  }
0x30e: {  	_ =	swait.ge [sflag:s11], $0x6000  }
0x30f: {  	s1 =	sld [smem:$0x7F5]  }
0x310: {  	[sflag:s11] =	ssyncset.done $0x0  }
0x311: {  	[sflag:s11] =	ssyncadd.s32 $0xFFFFA000  }
0x312: {  	[tilespmem:s2], [sflag:$0x1] =	stream.linear.gather [hbm4b:s1+s2], $0x6000, $0x38;
	[tilespmem:$0x18000] =	vst v63  }
0x313: {  	_ =	swait.ge [sflag:s18], $0x6000  }
0x314: {  	s1 =	sld [smem:$0x7F6]  }
0x315: {  	[sflag:s18] =	ssyncset.done $0x0  }
0x316: {  	[sflag:s18] =	ssyncadd.s32 $0xFFFFA000  }
0x317: {  	[hbm4b:s1+s2] =	stream.linear.scatter [tilespmem:s10], [sflag:$0x7], $0x6000, $0x38;
	[tilespmem:$0x18000] =	vst v63  }
0x318: {  	_ =	swait.ge [sflag:s9], $0x6000  }
0x319: {  	s1 =	sld [smem:$0x7F7]  }
0x31a: {  	[sflag:s9] =	ssyncset.done $0x0  }
0x31b: {  	[sflag:s9] =	ssyncadd.s32 $0xFFFFA000  }
0x31c: {  	[tilespmem:s13], [sflag:$0x2] =	stream.linear.gather [hbm4b:s1+s2], $0x6000, $0x38;
	[tilespmem:$0x18000] =	vst v63  }
0x31d: {  	_ =	swait.ge [sflag:s16], $0x6000  }
0x31e: {  	s1 =	sld [smem:$0x7F8]  }
0x31f: {  	[sflag:s16] =	ssyncset.done $0x0  }
0x320: {  	[sflag:s16] =	ssyncadd.s32 $0xFFFFA000  }
0x321: {  	[hbm4b:s1+s2] =	stream.linear.scatter [tilespmem:s6], [sflag:$0x8], $0x6000, $0x38;
	[tilespmem:$0x18000] =	vst v63  }
0x322: {  	_ =	swait.ge [sflag:s7], $0x6000  }
0x323: {  	s1 =	sld [smem:$0x7F9]  }
0x324: {  	[sflag:s7] =	ssyncset.done $0x0  }
0x325: {  	[sflag:s7] =	ssyncadd.s32 $0xFFFFA000  }
0x326: {  	[tilespmem:s10], [sflag:$0x3] =	stream.linear.gather [hbm4b:s1+s2], $0x6000, $0x38;
	[tilespmem:$0x18000] =	vst v63  }
0x327: {  	_ =	swait.ge [sflag:s21], $0x6000  }
0x328: {  	s1 =	sld [smem:$0x7FA]  }
0x329: {  	[sflag:s21] =	ssyncset.done $0x0  }
0x32a: {  	[sflag:s21] =	ssyncadd.s32 $0xFFFFA000  }
0x32b: {  	[hbm4b:s1+s2] =	stream.linear.scatter [tilespmem:s2], [sflag:$0x5], $0x6000, $0x38;
	[tilespmem:$0x18000] =	vst v63  }
0x32c: {  	_ =	swait.ge [sflag:s5], $0x6000  }
0x32d: {  	s1 =	sld [smem:$0x7FB]  }
0x32e: {  	[sflag:s5] =	ssyncset.done $0x0  }
0x32f: {  	[sflag:s5] =	ssyncadd.s32 $0xFFFFA000  }
0x330: {  	[tilespmem:s6], [sflag:$0x4] =	stream.linear.gather [hbm4b:s1+s2], $0x6000, $0x38;
	[tilespmem:$0x18000] =	vst v63  }
0x331: {  	_ =	swait.ge [sflag:s17], $0x6000  }
0x332: {  	s1 =	sld [smem:$0x7FC]  }
0x333: {  	[sflag:s17] =	ssyncset.done $0x0  }
0x334: {  	[sflag:s17] =	ssyncadd.s32 $0xFFFFA000  }
0x335: {  	[hbm4b:s1+s2] =	stream.linear.scatter [tilespmem:s13], [sflag:$0x6], $0x6000, $0x38;
	[tilespmem:$0x18000] =	vst v63  }
0x336: {  	_ =	swait.ge [sflag:s11], $0x6000  }
0x337: {  	s1 =	sld [smem:$0x7FD]  }
0x338: {  	[sflag:s11] =	ssyncset.done $0x0  }
0x339: {  	[sflag:s11] =	ssyncadd.s32 $0xFFFFA000  }
0x33a: {  	[tilespmem:s2], [sflag:$0x1] =	stream.linear.gather [hbm4b:s1+s2], $0x6000, $0x38;
	[tilespmem:$0x18000] =	vst v63  }
0x33b: {  	_ =	swait.ge [sflag:s18], $0x6000  }
0x33c: {  	[sflag:s18] =	ssyncset.done $0x0  }
0x33d: {  	[sflag:s18] =	ssyncadd.s32 $0xFFFFA000  }
0x33e: {  	[hbm4b:s31+s2] =	stream.linear.scatter [tilespmem:s10], [sflag:$0x7], $0x6000, $0x38;
	[tilespmem:$0x18000] =	vst v63  }
0x33f: {  	_ =	swait.ge [sflag:s9], $0x6000  }
0x340: {  	[sflag:s9] =	ssyncset.done $0x0  }
0x341: {  	[sflag:s9] =	ssyncadd.s32 $0xFFFFA000  }
0x342: {  	[tilespmem:s13], [sflag:$0x2] =	stream.linear.gather [hbm4b:s30+s2], $0x6000, $0x38;
	[tilespmem:$0x18000] =	vst v63  }
0x343: {  	_ =	swait.ge [sflag:s16], $0x6000  }
0x344: {  	[sflag:s16] =	ssyncset.done $0x0  }
0x345: {  	[sflag:s16] =	ssyncadd.s32 $0xFFFFA000  }
0x346: {  	[hbm4b:s29+s2] =	stream.linear.scatter [tilespmem:s6], [sflag:$0x8], $0x6000, $0x38;
	[tilespmem:$0x18000] =	vst v63  }
0x347: {  	_ =	swait.ge [sflag:s7], $0x6000  }
0x348: {  	[sflag:s7] =	ssyncset.done $0x0  }
0x349: {  	[sflag:s7] =	ssyncadd.s32 $0xFFFFA000  }
0x34a: {  	[tilespmem:s10], [sflag:$0x3] =	stream.linear.gather [hbm4b:s28+s2], $0x6000, $0x38;
	[tilespmem:$0x18000] =	vst v63  }
0x34b: {  	_ =	swait.ge [sflag:s21], $0x6000  }
0x34c: {  	[sflag:s21] =	ssyncset.done $0x0  }
0x34d: {  	[sflag:s21] =	ssyncadd.s32 $0xFFFFA000  }
0x34e: {  	[hbm4b:s26+s2] =	stream.linear.scatter [tilespmem:s2], [sflag:$0x5], $0x6000, $0x38;
	[tilespmem:$0x18000] =	vst v63  }
0x34f: {  	_ =	swait.ge [sflag:s5], $0x6000  }
0x350: {  	[sflag:s5] =	ssyncset.done $0x0  }
0x351: {  	[sflag:s5] =	ssyncadd.s32 $0xFFFFA000  }
0x352: {  	[tilespmem:s6], [sflag:$0x4] =	stream.linear.gather [hbm4b:s25+s2], $0x6000, $0x38;
	[tilespmem:$0x18000] =	vst v63  }
0x353: {  	_ =	swait.ge [sflag:s17], $0x6000  }
0x354: {  	[sflag:s17] =	ssyncset.done $0x0  }
0x355: {  	[sflag:s17] =	ssyncadd.s32 $0xFFFFA000  }
0x356: {  	[hbm4b:s24+s2] =	stream.linear.scatter [tilespmem:s13], [sflag:$0x6], $0x6000, $0x38;
	[tilespmem:$0x18000] =	vst v63  }
0x357: {  	_ =	swait.ge [sflag:s11], $0x6000  }
0x358: {  	[sflag:s11] =	ssyncset.done $0x0  }
0x359: {  	[sflag:s11] =	ssyncadd.s32 $0xFFFFA000  }
0x35a: {  	[tilespmem:s2], [sflag:$0x1] =	stream.linear.gather [hbm4b:s23+s2], $0x6000, $0x38;
	[tilespmem:$0x18000] =	vst v63  }
0x35b: {  	_ =	swait.ge [sflag:s18], $0x6000  }
0x35c: {  	[sflag:s18] =	ssyncset.done $0x0  }
0x35d: {  	[sflag:s18] =	ssyncadd.s32 $0xFFFFA000  }
0x35e: {  	[hbm4b:s22+s2] =	stream.linear.scatter [tilespmem:s10], [sflag:$0x7], $0x6000, $0x38;
	[tilespmem:$0x18000] =	vst v63  }
0x35f: {  	_ =	swait.ge [sflag:s9], $0x6000  }
0x360: {  	[sflag:s9] =	ssyncset.done $0x0  }
0x361: {  	[sflag:s9] =	ssyncadd.s32 $0xFFFFA000  }
0x362: {  	[tilespmem:s13], [sflag:$0x2] =	stream.linear.gather [hbm4b:s20+s2], $0x6000, $0x38;
	[tilespmem:$0x18000] =	vst v63  }
0x363: {  	_ =	swait.ge [sflag:s16], $0x6000  }
0x364: {  	[sflag:s16] =	ssyncset.done $0x0  }
0x365: {  	[sflag:s16] =	ssyncadd.s32 $0xFFFFA000  }
0x366: {  	[hbm4b:s19+s2] =	stream.linear.scatter [tilespmem:s6], [sflag:$0x8], $0x6000, $0x38;
	[tilespmem:$0x18000] =	vst v63  }
0x367: {  	_ =	swait.ge [sflag:s7], $0x6000  }
0x368: {  	[sflag:s7] =	ssyncset.done $0x0  }
0x369: {  	[sflag:s7] =	ssyncadd.s32 $0xFFFFA000  }
0x36a: {  	[tilespmem:s10], [sflag:$0x3] =	stream.linear.gather [hbm4b:s15+s2], $0x6000, $0x38;
	[tilespmem:$0x18000] =	vst v63  }
0x36b: {  	_ =	swait.ge [sflag:s21], $0x6000  }
0x36c: {  	[sflag:s21] =	ssyncset.done $0x0  }
0x36d: {  	[sflag:s21] =	ssyncadd.s32 $0xFFFFA000  }
0x36e: {  	[hbm4b:s14+s2] =	stream.linear.scatter [tilespmem:s2], [sflag:$0x5], $0x6000, $0x38;
	[tilespmem:$0x18000] =	vst v63  }
0x36f: {  	_ =	swait.ge [sflag:s5], $0x6000  }
0x370: {  	[sflag:s5] =	ssyncset.done $0x0  }
0x371: {  	[sflag:s5] =	ssyncadd.s32 $0xFFFFA000  }
0x372: {  	[tilespmem:s6], [sflag:$0x4] =	stream.linear.gather [hbm4b:s12+s2], $0x6000, $0x38;
	[tilespmem:$0x18000] =	vst v63  }
0x373: {  	_ =	swait.ge [sflag:s17], $0x6000  }
0x374: {  	[sflag:s17] =	ssyncset.done $0x0  }
0x375: {  	[sflag:s17] =	ssyncadd.s32 $0xFFFFA000  }
0x376: {  	[hbm4b:s8+s2] =	stream.linear.scatter [tilespmem:s13], [sflag:$0x6], $0x6000, $0x38;
	[tilespmem:$0x18000] =	vst v63  }
0x377: {  	_ =	swait.ge [sflag:s18], $0x6000  }
0x378: {  	[sflag:s18] =	ssyncset.done $0x0  }
0x379: {  	[sflag:s18] =	ssyncadd.s32 $0xFFFFA000  }
0x37a: {  	[hbm4b:s4+s2] =	stream.linear.scatter [tilespmem:s10], [sflag:$0x7], $0x6000, $0x38;
	[tilespmem:$0x18000] =	vst v63  }
0x37b: {  	_ =	swait.ge [sflag:s16], $0x6000  }
0x37c: {  	[sflag:s16] =	ssyncset.done $0x0  }
0x37d: {  	[sflag:s16] =	ssyncadd.s32 $0xFFFFA000  }
0x37e: {  	[hbm4b:s3+s2] =	stream.linear.scatter [tilespmem:s6], [sflag:$0x8], $0x6000, $0x38;
	[tilespmem:$0x18000] =	vst v63  }
0x37f: {  	_ =	swait.ge [sflag:s11], $0x6000  }
0x380: {  	[sflag:s11] =	ssyncset.done $0x0  }
0x381: {  	[sflag:s11] =	ssyncadd.s32 $0xFFFFA000  }
0x382: {  	_ =	swait.ge [sflag:s9], $0x6000  }
0x383: {  	[sflag:s9] =	ssyncset.done $0x0  }
0x384: {  	[sflag:s9] =	ssyncadd.s32 $0xFFFFA000  }
0x385: {  	_ =	swait.ge [sflag:s7], $0x6000  }
0x386: {  	[sflag:s7] =	ssyncset.done $0x0  }
0x387: {  	[sflag:s7] =	ssyncadd.s32 $0xFFFFA000  }
0x388: {  	_ =	swait.ge [sflag:s5], $0x6000  }
0x389: {  	[sflag:s5] =	ssyncset.done $0x0  }
0x38a: {  	[sflag:s5] =	ssyncadd.s32 $0xFFFFA000  }
0x38b: {  	_ =	sfence.sel $0x180000  }
0x38c: {  	[bflag:$0x0] =	sbarrier.arrive $0xFFFF  }
0x38d: {  	_ =	strace $0x90000047  }
0x38e: {  	s31 =	stileid.u32;
	[bflag:$0x2] =	sbarrier.arrive $0xFFFF  }
0x38f: {  	p0 =	sne.s32 s31, $0x0;
	s0 =	rddreg [dreg:$0x2]  }
0x390: {  	s0 =	sadd.s32 @!p0 $0x100000, s0  }
0x391: {  	[sflag:s0] =	ssyncadd.tile.s32 @!p0 $0x1;
	_ =	shalt  }
.Lfunc_end2:
_tile_overlayer_lowered:
.L_overlay_start_2:
0x392: {  	(tag) =	ssettag $0x2  }
0x393: {  	s0 =	rddreg [dreg:$0x0];
	s2 =	stileid.u32  }
0x394: {  	s1 =	rddreg [dreg:$0x1];
	p0 =	sne.s32 s2, $0x0  }
0x395: {  	s3 =	rddreg [dreg:$0x2];
	[bflag:$0x3] =	sbarrier.arrive $0xFFFF;
	s2 =	simm.s32 @!p0 $0x1C09  }
0x396: {  	[timem:s3], [sflag:s2] =	dma.local @!p0 [hbm:s0], s1  }
0x397: {  	s0 =	simm.s32 @!p0 $0x9  }
0x398: {  	_ =	swait.ge @!p0 [sflag:s0], s1  }
0x399: {  	s1 =	ssub.s32 @!p0 $0x0, s1;
	[sflag:s0] =	ssyncset.done @!p0 $0x0  }
0x39a: {  	[sflag:s0] =	ssyncadd.s32 @!p0 s1  }
0x39b: {  	[bflag:$0x3] =	sbarrier.arrive $0xFFFF  }
0x39c: {  	_ =	shalt  }

</sc_bundles>
